<compile_context>
chip_gen: v7x
topology: tpu7x:2x2x1
jax: 0.10.2.dev20260603
libtpu: 0.0.44.dev20260713+nightly
codegen_flags: <defaults>
</compile_context>

<pallas_src>
import functools

import jax
import jax.numpy as jnp
from jax import lax
from jax.experimental import pallas as pl
from jax.experimental.pallas import tpu as pltpu
from jax.experimental.pallas import tpu_sc as plsc

_GATHER_DNUMS = lax.GatherDimensionNumbers(
    offset_dims=(), collapsed_slice_dims=(0,), start_index_map=(0,)
)


def _lane_gather(x, idx):
    return lax.gather(
        x, idx[:, None], dimension_numbers=_GATHER_DNUMS, slice_sizes=(1,),
        mode=lax.GatherScatterMode.PROMISE_IN_BOUNDS,
    )


_N = 819200
_NUM_USERS = 16384
_NC = 2
_NS = 16
_NW = _NC * _NS
_CHUNK = _N // _NW
_VECS = _CHUNK // 16
_TBL_VECS = _NUM_USERS // 16

_DENSE_GRID = 5
_BCE_BLK = _N // _DENSE_GRID
_YV_ROWS = 100000 // _DENSE_GRID
_CMB_GRID = 8
_CMB_COLS = _NUM_USERS // _CMB_GRID


def _sc_segment_body(uid_hbm, preds_hbm, yut_hbm,
                     out_min, out_sum, out_cnt,
                     ids_v, p_v, t_v, min_t, sum_t, cnt_t, sem):
    wid = lax.axis_index("s") * _NC + lax.axis_index("c")
    base = wid * _CHUNK
    cp0 = pltpu.async_copy(uid_hbm.at[pl.ds(base, _CHUNK)], ids_v, sem)
    cp1 = pltpu.async_copy(preds_hbm.at[pl.ds(base, _CHUNK)], p_v, sem)
    cp2 = pltpu.async_copy(yut_hbm.at[pl.ds(base, _CHUNK)], t_v, sem)

    inf16 = jnp.full((16,), jnp.inf, jnp.float32)
    zero16 = jnp.zeros((16,), jnp.float32)

    def init_body(i, c):
        off = i * 16
        min_t[pl.ds(off, 16)] = inf16
        sum_t[pl.ds(off, 16)] = zero16
        cnt_t[pl.ds(off, 16)] = zero16
        return c

    lax.fori_loop(0, _TBL_VECS, init_body, 0)

    cp0.wait()
    cp1.wait()
    cp2.wait()

    ones16 = jnp.ones((16,), jnp.float32)
    lane = lax.iota(jnp.int32, 16)
    shift_idx = {k: jnp.maximum(lane - k, 0) for k in (1, 2, 4, 8)}
    shift_ok = {k: lane >= k for k in (1, 2, 4, 8)}
    nxt_idx = jnp.minimum(lane + 1, 15)
    lane15 = lane == 15

    def body(j, c):
        off = j * 16
        ids = ids_v[pl.ds(off, 16)]
        p = p_v[pl.ds(off, 16)]
        yt = t_v[pl.ds(off, 16)]
        p_run, y_run, c_run = p, yt, ones16
        for k in (1, 2, 4, 8):
            idx = shift_idx[k]
            same = shift_ok[k] & (_lane_gather(ids, idx) == ids)
            p_k = _lane_gather(p_run, idx)
            y_k = _lane_gather(y_run, idx)
            c_k = _lane_gather(c_run, idx)
            p_run = jnp.where(same, jnp.minimum(p_run, p_k), p_run)
            y_run = jnp.where(same, y_run + y_k, y_run)
            c_run = jnp.where(same, c_run + c_k, c_run)
        is_last = (ids != _lane_gather(ids, nxt_idx)) | lane15
        cur = plsc.load_gather(min_t, [ids])
        plsc.store_scatter(min_t, [ids], jnp.minimum(cur, p_run), mask=is_last)
        plsc.addupdate_scatter(sum_t, [ids], y_run, mask=is_last)
        plsc.addupdate_scatter(cnt_t, [ids], c_run, mask=is_last)
        return c

    lax.fori_loop(0, _VECS, body, 0, unroll=4)

    pltpu.sync_copy(min_t, out_min.at[wid])
    pltpu.sync_copy(sum_t, out_sum.at[wid])
    pltpu.sync_copy(cnt_t, out_cnt.at[wid])


_sc_segment = functools.partial(
    pl.kernel,
    mesh=plsc.VectorSubcoreMesh(core_axis_name="c", subcore_axis_name="s"),
    compiler_params=pltpu.CompilerParams(needs_layout_passes=False),
    out_type=[
        jax.ShapeDtypeStruct((_NW, _NUM_USERS), jnp.float32),
        jax.ShapeDtypeStruct((_NW, _NUM_USERS), jnp.float32),
        jax.ShapeDtypeStruct((_NW, _NUM_USERS), jnp.float32),
    ],
    scratch_types=[
        pltpu.VMEM((_CHUNK,), jnp.int32),
        pltpu.VMEM((_CHUNK,), jnp.float32),
        pltpu.VMEM((_CHUNK,), jnp.float32),
        pltpu.VMEM((_NUM_USERS,), jnp.float32),
        pltpu.VMEM((_NUM_USERS,), jnp.float32),
        pltpu.VMEM((_NUM_USERS,), jnp.float32),
        pltpu.SemaphoreType.DMA,
    ],
)(_sc_segment_body)


def _tc_dense_body(p_ref, r_ref, v_ref, o_ref):
    @pl.when(pl.program_id(0) == 0)
    def _init():
        o_ref[0, 0] = 0.0

    p = p_ref[...]
    r = r_ref[...]
    lp = jnp.maximum(jnp.log(p), -100.0)
    l1 = jnp.maximum(jnp.log1p(-p), -100.0)
    bce = jnp.sum(r * lp + (1.0 - r) * l1)
    v = v_ref[...]
    o_ref[0, 0] += jnp.sum(v * v) - (1000.0 / _N) * bce


_tc_dense = pl.pallas_call(
    _tc_dense_body,
    grid=(_DENSE_GRID,),
    in_specs=[
        pl.BlockSpec((_BCE_BLK,), lambda i: (i,)),
        pl.BlockSpec((_BCE_BLK,), lambda i: (i,)),
        pl.BlockSpec((_YV_ROWS, 64), lambda i: (i, 0)),
    ],
    out_specs=pl.BlockSpec((1, 1), lambda i: (0, 0), memory_space=pltpu.SMEM),
    out_shape=jax.ShapeDtypeStruct((1, 1), jnp.float32),
)


def _tc_combine_body(m_ref, s_ref, c_ref, o_ref):
    @pl.when(pl.program_id(0) == 0)
    def _init():
        o_ref[0, 0] = 0.0

    m = jnp.min(m_ref[...], axis=0, keepdims=True)
    s = jnp.sum(s_ref[...], axis=0, keepdims=True)
    c = jnp.sum(c_ref[...], axis=0, keepdims=True)
    l_u = jnp.maximum(jnp.log(m) - jnp.log(s / c), -1.0)
    o_ref[0, 0] += jnp.sum(l_u)


_tc_combine = pl.pallas_call(
    _tc_combine_body,
    grid=(_CMB_GRID,),
    in_specs=[
        pl.BlockSpec((_NW, _CMB_COLS), lambda i: (0, i)),
        pl.BlockSpec((_NW, _CMB_COLS), lambda i: (0, i)),
        pl.BlockSpec((_NW, _CMB_COLS), lambda i: (0, i)),
    ],
    out_specs=pl.BlockSpec((1, 1), lambda i: (0, 0), memory_space=pltpu.SMEM),
    out_shape=jax.ShapeDtypeStruct((1, 1), jnp.float32),
)


def kernel(user_id, item_id, rating, preds, y_u_t, y_v):
    del item_id
    uid = user_id.astype(jnp.int32)
    mins, sums, cnts = _sc_segment(uid, preds, y_u_t)
    dense = _tc_dense(preds, rating, y_v)
    lu = _tc_combine(mins, sums, cnts)
    return lu[0, 0] + dense[0, 0]

# --- scband reference (transcript-rebuilt; emitter-appended) ---
"""Pipeline reference for scband-heuristic-hit-ratio-68101001445784 (READ-ONLY COPY).

The authoritative reference and input builder live on the scoring server;
editing this copy changes nothing except your own understanding.
"""

import jax, jax.numpy as jnp
import numpy as np

N = 819200
NUM_USERS = 16384
NUM_ITEMS = 100000
D = 64


def setup_inputs(seed: int = 0) -> dict:
    key = jax.random.key(seed)
    ks = jax.random.split(key, 6)
    user_id = jnp.sort(jax.random.randint(ks[0], (N,), 0, NUM_USERS, dtype=jnp.int64) if jax.config.jax_enable_x64 else jax.random.randint(ks[0], (N,), 0, NUM_USERS))
    item_id = jax.random.randint(ks[1], (N,), 0, NUM_ITEMS)
    rating = jax.random.uniform(ks[2], (N,), dtype=jnp.float32)
    preds = jax.random.uniform(ks[3], (N,), dtype=jnp.float32)
    y_u_t = jax.random.uniform(ks[4], (N,), dtype=jnp.float32)
    y_v = jax.random.normal(ks[5], (NUM_ITEMS, D), dtype=jnp.float32)
    return {"user_id": user_id, "item_id": item_id, "rating": rating,
            "preds": preds, "y_u_t": y_u_t, "y_v": y_v}


def reference(user_id, item_id, rating, preds, y_u_t, y_v):
    num_seg = NUM_USERS
    # y_v_22 = ||y_v||_2^2 (vector norm over all elements, squared)
    y_v_22 = jnp.sum(y_v * y_v)
    # scatter(preds, user_id, reduce='min') -> per-user min of preds
    min_preds = jax.ops.segment_min(preds, user_id, num_segments=num_seg)
    min_log_y_hat_ui = jnp.log(min_preds)
    # scatter(y_u_t, user_id, reduce='mean') -> per-user mean
    sums = jax.ops.segment_sum(y_u_t, user_id, num_segments=num_seg)
    counts = jax.ops.segment_sum(jnp.ones_like(y_u_t), user_id, num_segments=num_seg)
    log_y_u_t = jnp.log(sums / counts)
    l_u_max_left = min_log_y_hat_ui - log_y_u_t
    l_u = jnp.maximum(l_u_max_left, jnp.full_like(l_u_max_left, -1.0))
    # BCELoss(preds, rating.detach()) with torch's log clamp at -100
    y = jax.lax.stop_gradient(rating)
    log_p = jnp.clip(jnp.log(preds), -100.0, None)
    log_1mp = jnp.clip(jnp.log1p(-preds), -100.0, None)
    l_dash_value = -jnp.mean(y * log_p + (1.0 - y) * log_1mp)
    return jnp.sum(l_u) + 1000.0 * l_dash_value + y_v_22

if __name__ == "__main__":
    import jax
    _d = setup_inputs()
    print(jax.jit(kernel)(*tuple(_d.values())))

</pallas_src>

<mosaic_0001>
#map = affine_map<(d0, d1) -> (0)>
#map1 = affine_map<(d0, d1) -> (0, 0)>
module attributes {stable_mosaic.version = 14 : i64} {
  func.func @_sc_segment_body(%arg0: i32, %arg1: i32, %arg2: memref<819200xi32, #tpu.memory_space<hbm>>, %arg3: memref<819200xf32, #tpu.memory_space<hbm>>, %arg4: memref<819200xf32, #tpu.memory_space<hbm>>, %arg5: memref<32x16384xf32, #tpu.memory_space<hbm>>, %arg6: memref<32x16384xf32, #tpu.memory_space<hbm>>, %arg7: memref<32x16384xf32, #tpu.memory_space<hbm>>, %arg8: memref<25600xi32, #tpu.memory_space<vmem>>, %arg9: memref<25600xf32, #tpu.memory_space<vmem>>, %arg10: memref<25600xf32, #tpu.memory_space<vmem>>, %arg11: memref<16384xf32, #tpu.memory_space<vmem>>, %arg12: memref<16384xf32, #tpu.memory_space<vmem>>, %arg13: memref<16384xf32, #tpu.memory_space<vmem>>, %arg14: memref<!tpu.dma_semaphore, #tpu.memory_space<semaphore_mem>>) attributes {dimension_semantics = [#tpu.dimension_semantics<core_parallel>, #tpu.dimension_semantics<subcore_parallel>], iteration_bounds = array<i64: 2, 16>, scalar_prefetch = 0 : i64, scratch_operands = 7 : i64, tpu.core_type = #tpu.core_type<sc_vector_subcore>, window_params = [{transform_indices = #map}, {transform_indices = #map}, {transform_indices = #map}, {transform_indices = #map1}, {transform_indices = #map1}, {transform_indices = #map1}]} {
    %mul3A = arith.constant 2 : i32
    %mul3A_0 = arith.muli %arg1, %mul3A : i32
    %add3A = arith.addi %mul3A_0, %arg0 : i32
    %mul3A_1 = arith.constant 25600 : i32
    %mul3A_2 = arith.muli %add3A, %mul3A_1 : i32
    %dma_start3A = tpu.memref_slice %arg2[%mul3A_2] : memref<819200xi32, #tpu.memory_space<hbm>> -> memref<25600xi32, #tpu.memory_space<hbm>>
    %dma_start3A_3 = tpu.memref_slice %arg2[%mul3A_2] : memref<819200xi32, #tpu.memory_space<hbm>> -> memref<25600xi32, #tpu.memory_space<hbm>>
    tpu.enqueue_dma source(%dma_start3A_3 : memref<25600xi32, #tpu.memory_space<hbm>>) target(%arg8 : memref<25600xi32, #tpu.memory_space<vmem>>) target_semaphore(%arg14 : memref<!tpu.dma_semaphore, #tpu.memory_space<semaphore_mem>>)
    %dma_start3A_4 = tpu.memref_slice %arg3[%mul3A_2] : memref<819200xf32, #tpu.memory_space<hbm>> -> memref<25600xf32, #tpu.memory_space<hbm>>
    %dma_start3A_5 = tpu.memref_slice %arg3[%mul3A_2] : memref<819200xf32, #tpu.memory_space<hbm>> -> memref<25600xf32, #tpu.memory_space<hbm>>
    tpu.enqueue_dma source(%dma_start3A_5 : memref<25600xf32, #tpu.memory_space<hbm>>) target(%arg9 : memref<25600xf32, #tpu.memory_space<vmem>>) target_semaphore(%arg14 : memref<!tpu.dma_semaphore, #tpu.memory_space<semaphore_mem>>)
    %dma_start3A_6 = tpu.memref_slice %arg4[%mul3A_2] : memref<819200xf32, #tpu.memory_space<hbm>> -> memref<25600xf32, #tpu.memory_space<hbm>>
    %dma_start3A_7 = tpu.memref_slice %arg4[%mul3A_2] : memref<819200xf32, #tpu.memory_space<hbm>> -> memref<25600xf32, #tpu.memory_space<hbm>>
    tpu.enqueue_dma source(%dma_start3A_7 : memref<25600xf32, #tpu.memory_space<hbm>>) target(%arg10 : memref<25600xf32, #tpu.memory_space<vmem>>) target_semaphore(%arg14 : memref<!tpu.dma_semaphore, #tpu.memory_space<semaphore_mem>>)
    %broadcast_in_dim3A = arith.constant 0x7F800000 : f32
    %broadcast_in_dim3A_8 = vector.broadcast %broadcast_in_dim3A : f32 to vector<16xf32>
    %broadcast_in_dim3A_9 = arith.constant 0.000000e+00 : f32
    %broadcast_in_dim3A_10 = vector.broadcast %broadcast_in_dim3A_9 : f32 to vector<16xf32>
    %scan3A = arith.constant 0 : i32
    %scan3A_11 = arith.constant 0 : i32
    %scan3A_12 = arith.constant 1024 : i32
    %scan3A_13 = arith.addi %scan3A_11, %scan3A_12 : i32
    %scan3A_14 = arith.constant 1 : i32
    scf.for %scan3A_69 = %scan3A_11 to %scan3A_13 step %scan3A_14  : i32 {
      %mul3A_70 = arith.constant 16 : i32
      %mul3A_71 = arith.muli %scan3A_69, %mul3A_70 : i32
      %swap3A = arith.index_cast %mul3A_71 : i32 to index
      %swap3A_72 = tpu.vector_load %arg11[%swap3A] {strides = array<i32>} : memref<16384xf32, #tpu.memory_space<vmem>>, vector<16xf32>,
      tpu.vector_store %arg11[%swap3A], %broadcast_in_dim3A_8 {strides = array<i32>} : memref<16384xf32, #tpu.memory_space<vmem>>, vector<16xf32>,
      %swap3A_73 = arith.index_cast %mul3A_71 : i32 to index
      %swap3A_74 = tpu.vector_load %arg12[%swap3A_73] {strides = array<i32>} : memref<16384xf32, #tpu.memory_space<vmem>>, vector<16xf32>,
      tpu.vector_store %arg12[%swap3A_73], %broadcast_in_dim3A_10 {strides = array<i32>} : memref<16384xf32, #tpu.memory_space<vmem>>, vector<16xf32>,
      %swap3A_75 = arith.index_cast %mul3A_71 : i32 to index
      %swap3A_76 = tpu.vector_load %arg13[%swap3A_75] {strides = array<i32>} : memref<16384xf32, #tpu.memory_space<vmem>>, vector<16xf32>,
      tpu.vector_store %arg13[%swap3A_75], %broadcast_in_dim3A_10 {strides = array<i32>} : memref<16384xf32, #tpu.memory_space<vmem>>, vector<16xf32>,
    }
    %scan3A_15 = arith.constant 1024 : i32
    %dma_wait3A = tpu.memref_slice %arg2[%mul3A_2] : memref<819200xi32, #tpu.memory_space<hbm>> -> memref<25600xi32, #tpu.memory_space<hbm>>
    %dma_wait3A_16 = tpu.memref_slice %arg2[%mul3A_2] : memref<819200xi32, #tpu.memory_space<hbm>> -> memref<25600xi32, #tpu.memory_space<hbm>>
    tpu.wait_dma2 semaphore(%arg14 : memref<!tpu.dma_semaphore, #tpu.memory_space<semaphore_mem>>) src(%dma_wait3A_16 : memref<25600xi32, #tpu.memory_space<hbm>>) dst(%arg8 : memref<25600xi32, #tpu.memory_space<vmem>>)
    %dma_wait3A_17 = tpu.memref_slice %arg3[%mul3A_2] : memref<819200xf32, #tpu.memory_space<hbm>> -> memref<25600xf32, #tpu.memory_space<hbm>>
    %dma_wait3A_18 = tpu.memref_slice %arg3[%mul3A_2] : memref<819200xf32, #tpu.memory_space<hbm>> -> memref<25600xf32, #tpu.memory_space<hbm>>
    tpu.wait_dma2 semaphore(%arg14 : memref<!tpu.dma_semaphore, #tpu.memory_space<semaphore_mem>>) src(%dma_wait3A_18 : memref<25600xf32, #tpu.memory_space<hbm>>) dst(%arg9 : memref<25600xf32, #tpu.memory_space<vmem>>)
    %dma_wait3A_19 = tpu.memref_slice %arg4[%mul3A_2] : memref<819200xf32, #tpu.memory_space<hbm>> -> memref<25600xf32, #tpu.memory_space<hbm>>
    %dma_wait3A_20 = tpu.memref_slice %arg4[%mul3A_2] : memref<819200xf32, #tpu.memory_space<hbm>> -> memref<25600xf32, #tpu.memory_space<hbm>>
    tpu.wait_dma2 semaphore(%arg14 : memref<!tpu.dma_semaphore, #tpu.memory_space<semaphore_mem>>) src(%dma_wait3A_20 : memref<25600xf32, #tpu.memory_space<hbm>>) dst(%arg10 : memref<25600xf32, #tpu.memory_space<vmem>>)
    %broadcast_in_dim3A_21 = arith.constant 1.000000e+00 : f32
    %broadcast_in_dim3A_22 = vector.broadcast %broadcast_in_dim3A_21 : f32 to vector<16xf32>
    %iota3A = tpu.iota {dimensions = array<i32: 0>} : vector<16xi32>
    %sub3A = arith.constant 1 : i32
    %sub3A_23 = vector.broadcast %sub3A : i32 to vector<16xi32>
    %sub3A_24 = arith.subi %iota3A, %sub3A_23 : vector<16xi32>
    %max3A = arith.constant 0 : i32
    %max3A_25 = vector.broadcast %max3A : i32 to vector<16xi32>
    %max3A_26 = arith.maxsi %sub3A_24, %max3A_25 : vector<16xi32>
    %sub3A_27 = arith.constant 2 : i32
    %sub3A_28 = vector.broadcast %sub3A_27 : i32 to vector<16xi32>
    %sub3A_29 = arith.subi %iota3A, %sub3A_28 : vector<16xi32>
    %max3A_30 = arith.constant 0 : i32
    %max3A_31 = vector.broadcast %max3A_30 : i32 to vector<16xi32>
    %max3A_32 = arith.maxsi %sub3A_29, %max3A_31 : vector<16xi32>
    %sub3A_33 = arith.constant 4 : i32
    %sub3A_34 = vector.broadcast %sub3A_33 : i32 to vector<16xi32>
    %sub3A_35 = arith.subi %iota3A, %sub3A_34 : vector<16xi32>
    %max3A_36 = arith.constant 0 : i32
    %max3A_37 = vector.broadcast %max3A_36 : i32 to vector<16xi32>
    %max3A_38 = arith.maxsi %sub3A_35, %max3A_37 : vector<16xi32>
    %sub3A_39 = arith.constant 8 : i32
    %sub3A_40 = vector.broadcast %sub3A_39 : i32 to vector<16xi32>
    %sub3A_41 = arith.subi %iota3A, %sub3A_40 : vector<16xi32>
    %max3A_42 = arith.constant 0 : i32
    %max3A_43 = vector.broadcast %max3A_42 : i32 to vector<16xi32>
    %max3A_44 = arith.maxsi %sub3A_41, %max3A_43 : vector<16xi32>
    %ge3A = arith.constant 1 : i32
    %ge3A_45 = vector.broadcast %ge3A : i32 to vector<16xi32>
    %ge3A_46 = arith.cmpi sge, %iota3A, %ge3A_45 : vector<16xi32>
    %ge3A_47 = arith.constant 2 : i32
    %ge3A_48 = vector.broadcast %ge3A_47 : i32 to vector<16xi32>
    %ge3A_49 = arith.cmpi sge, %iota3A, %ge3A_48 : vector<16xi32>
    %ge3A_50 = arith.constant 4 : i32
    %ge3A_51 = vector.broadcast %ge3A_50 : i32 to vector<16xi32>
    %ge3A_52 = arith.cmpi sge, %iota3A, %ge3A_51 : vector<16xi32>
    %ge3A_53 = arith.constant 8 : i32
    %ge3A_54 = vector.broadcast %ge3A_53 : i32 to vector<16xi32>
    %ge3A_55 = arith.cmpi sge, %iota3A, %ge3A_54 : vector<16xi32>
    %add3A_56 = arith.constant 1 : i32
    %add3A_57 = vector.broadcast %add3A_56 : i32 to vector<16xi32>
    %add3A_58 = arith.addi %iota3A, %add3A_57 : vector<16xi32>
    %min3A = arith.constant 15 : i32
    %min3A_59 = vector.broadcast %min3A : i32 to vector<16xi32>
    %min3A_60 = arith.minsi %add3A_58, %min3A_59 : vector<16xi32>
    %eq3A = arith.constant 15 : i32
    %eq3A_61 = vector.broadcast %eq3A : i32 to vector<16xi32>
    %eq3A_62 = arith.cmpi eq, %iota3A, %eq3A_61 : vector<16xi32>
    %scan3A_63 = arith.constant 0 : i32
    %scan3A_64 = arith.constant 0 : i32
    %scan3A_65 = arith.constant 1600 : i32
    %scan3A_66 = arith.addi %scan3A_64, %scan3A_65 : i32
    %scan3A_67 = arith.constant 4 : i32
    scf.for %scan3A_69 = %scan3A_64 to %scan3A_66 step %scan3A_67  : i32 {
      %mul3A_70 = arith.constant 16 : i32
      %mul3A_71 = arith.muli %scan3A_69, %mul3A_70 : i32
      %get3A = arith.index_cast %mul3A_71 : i32 to index
      %get3A_72 = tpu.vector_load %arg8[%get3A] {strides = array<i32>} : memref<25600xi32, #tpu.memory_space<vmem>>, vector<16xi32>,
      %get3A_73 = arith.index_cast %mul3A_71 : i32 to index
      %get3A_74 = tpu.vector_load %arg9[%get3A_73] {strides = array<i32>} : memref<25600xf32, #tpu.memory_space<vmem>>, vector<16xf32>,
      %get3A_75 = arith.index_cast %mul3A_71 : i32 to index
      %get3A_76 = tpu.vector_load %arg10[%get3A_75] {strides = array<i32>} : memref<25600xf32, #tpu.memory_space<vmem>>, vector<16xf32>,
      %broadcast_in_dim3A_77 = vector.shape_cast %max3A_26 : vector<16xi32> to vector<16x1xi32>
      %gather3A = vector.shape_cast %broadcast_in_dim3A_77 : vector<16x1xi32> to vector<16xi32>
      %gather3A_78 = tpu.dynamic_gather %get3A_72[%gather3A] in [0] : vector<16xi32>, vector<16xi32> -> vector<16xi32>
      %eq3A_79 = arith.cmpi eq, %gather3A_78, %get3A_72 : vector<16xi32>
      %and3A = arith.andi %ge3A_46, %eq3A_79 : vector<16xi1>
      %broadcast_in_dim3A_80 = vector.shape_cast %max3A_26 : vector<16xi32> to vector<16x1xi32>
      %gather3A_81 = vector.shape_cast %broadcast_in_dim3A_80 : vector<16x1xi32> to vector<16xi32>
      %gather3A_82 = tpu.dynamic_gather %get3A_74[%gather3A_81] in [0] : vector<16xf32>, vector<16xi32> -> vector<16xf32>
      %broadcast_in_dim3A_83 = vector.shape_cast %max3A_26 : vector<16xi32> to vector<16x1xi32>
      %gather3A_84 = vector.shape_cast %broadcast_in_dim3A_83 : vector<16x1xi32> to vector<16xi32>
      %gather3A_85 = tpu.dynamic_gather %get3A_76[%gather3A_84] in [0] : vector<16xf32>, vector<16xi32> -> vector<16xf32>
      %broadcast_in_dim3A_86 = vector.shape_cast %max3A_26 : vector<16xi32> to vector<16x1xi32>
      %gather3A_87 = vector.shape_cast %broadcast_in_dim3A_86 : vector<16x1xi32> to vector<16xi32>
      %gather3A_88 = tpu.dynamic_gather %broadcast_in_dim3A_22[%gather3A_87] in [0] : vector<16xf32>, vector<16xi32> -> vector<16xf32>
      %min3A_89 = arith.minimumf %get3A_74, %gather3A_82 : vector<16xf32>
      %select_n3A = arith.select %and3A, %min3A_89, %get3A_74 : vector<16xi1>, vector<16xf32>
      %add3A_90 = arith.addf %get3A_76, %gather3A_85 : vector<16xf32>
      %select_n3A_91 = arith.select %and3A, %add3A_90, %get3A_76 : vector<16xi1>, vector<16xf32>
      %add3A_92 = arith.addf %broadcast_in_dim3A_22, %gather3A_88 : vector<16xf32>
      %select_n3A_93 = arith.select %and3A, %add3A_92, %broadcast_in_dim3A_22 : vector<16xi1>, vector<16xf32>
      %broadcast_in_dim3A_94 = vector.shape_cast %max3A_32 : vector<16xi32> to vector<16x1xi32>
      %gather3A_95 = vector.shape_cast %broadcast_in_dim3A_94 : vector<16x1xi32> to vector<16xi32>
      %gather3A_96 = tpu.dynamic_gather %get3A_72[%gather3A_95] in [0] : vector<16xi32>, vector<16xi32> -> vector<16xi32>
      %eq3A_97 = arith.cmpi eq, %gather3A_96, %get3A_72 : vector<16xi32>
      %and3A_98 = arith.andi %ge3A_49, %eq3A_97 : vector<16xi1>
      %broadcast_in_dim3A_99 = vector.shape_cast %max3A_32 : vector<16xi32> to vector<16x1xi32>
      %gather3A_100 = vector.shape_cast %broadcast_in_dim3A_99 : vector<16x1xi32> to vector<16xi32>
      %gather3A_101 = tpu.dynamic_gather %select_n3A[%gather3A_100] in [0] : vector<16xf32>, vector<16xi32> -> vector<16xf32>
      %broadcast_in_dim3A_102 = vector.shape_cast %max3A_32 : vector<16xi32> to vector<16x1xi32>
      %gather3A_103 = vector.shape_cast %broadcast_in_dim3A_102 : vector<16x1xi32> to vector<16xi32>
      %gather3A_104 = tpu.dynamic_gather %select_n3A_91[%gather3A_103] in [0] : vector<16xf32>, vector<16xi32> -> vector<16xf32>
      %broadcast_in_dim3A_105 = vector.shape_cast %max3A_32 : vector<16xi32> to vector<16x1xi32>
      %gather3A_106 = vector.shape_cast %broadcast_in_dim3A_105 : vector<16x1xi32> to vector<16xi32>
      %gather3A_107 = tpu.dynamic_gather %select_n3A_93[%gather3A_106] in [0] : vector<16xf32>, vector<16xi32> -> vector<16xf32>
      %min3A_108 = arith.minimumf %select_n3A, %gather3A_101 : vector<16xf32>
      %select_n3A_109 = arith.select %and3A_98, %min3A_108, %select_n3A : vector<16xi1>, vector<16xf32>
      %add3A_110 = arith.addf %select_n3A_91, %gather3A_104 : vector<16xf32>
      %select_n3A_111 = arith.select %and3A_98, %add3A_110, %select_n3A_91 : vector<16xi1>, vector<16xf32>
      %add3A_112 = arith.addf %select_n3A_93, %gather3A_107 : vector<16xf32>
      %select_n3A_113 = arith.select %and3A_98, %add3A_112, %select_n3A_93 : vector<16xi1>, vector<16xf32>
      %broadcast_in_dim3A_114 = vector.shape_cast %max3A_38 : vector<16xi32> to vector<16x1xi32>
      %gather3A_115 = vector.shape_cast %broadcast_in_dim3A_114 : vector<16x1xi32> to vector<16xi32>
      %gather3A_116 = tpu.dynamic_gather %get3A_72[%gather3A_115] in [0] : vector<16xi32>, vector<16xi32> -> vector<16xi32>
      %eq3A_117 = arith.cmpi eq, %gather3A_116, %get3A_72 : vector<16xi32>
      %and3A_118 = arith.andi %ge3A_52, %eq3A_117 : vector<16xi1>
      %broadcast_in_dim3A_119 = vector.shape_cast %max3A_38 : vector<16xi32> to vector<16x1xi32>
      %gather3A_120 = vector.shape_cast %broadcast_in_dim3A_119 : vector<16x1xi32> to vector<16xi32>
      %gather3A_121 = tpu.dynamic_gather %select_n3A_109[%gather3A_120] in [0] : vector<16xf32>, vector<16xi32> -> vector<16xf32>
      %broadcast_in_dim3A_122 = vector.shape_cast %max3A_38 : vector<16xi32> to vector<16x1xi32>
      %gather3A_123 = vector.shape_cast %broadcast_in_dim3A_122 : vector<16x1xi32> to vector<16xi32>
      %gather3A_124 = tpu.dynamic_gather %select_n3A_111[%gather3A_123] in [0] : vector<16xf32>, vector<16xi32> -> vector<16xf32>
      %broadcast_in_dim3A_125 = vector.shape_cast %max3A_38 : vector<16xi32> to vector<16x1xi32>
      %gather3A_126 = vector.shape_cast %broadcast_in_dim3A_125 : vector<16x1xi32> to vector<16xi32>
      %gather3A_127 = tpu.dynamic_gather %select_n3A_113[%gather3A_126] in [0] : vector<16xf32>, vector<16xi32> -> vector<16xf32>
      %min3A_128 = arith.minimumf %select_n3A_109, %gather3A_121 : vector<16xf32>
      %select_n3A_129 = arith.select %and3A_118, %min3A_128, %select_n3A_109 : vector<16xi1>, vector<16xf32>
      %add3A_130 = arith.addf %select_n3A_111, %gather3A_124 : vector<16xf32>
      %select_n3A_131 = arith.select %and3A_118, %add3A_130, %select_n3A_111 : vector<16xi1>, vector<16xf32>
      %add3A_132 = arith.addf %select_n3A_113, %gather3A_127 : vector<16xf32>
      %select_n3A_133 = arith.select %and3A_118, %add3A_132, %select_n3A_113 : vector<16xi1>, vector<16xf32>
      %broadcast_in_dim3A_134 = vector.shape_cast %max3A_44 : vector<16xi32> to vector<16x1xi32>
      %gather3A_135 = vector.shape_cast %broadcast_in_dim3A_134 : vector<16x1xi32> to vector<16xi32>
      %gather3A_136 = tpu.dynamic_gather %get3A_72[%gather3A_135] in [0] : vector<16xi32>, vector<16xi32> -> vector<16xi32>
      %eq3A_137 = arith.cmpi eq, %gather3A_136, %get3A_72 : vector<16xi32>
      %and3A_138 = arith.andi %ge3A_55, %eq3A_137 : vector<16xi1>
      %broadcast_in_dim3A_139 = vector.shape_cast %max3A_44 : vector<16xi32> to vector<16x1xi32>
      %gather3A_140 = vector.shape_cast %broadcast_in_dim3A_139 : vector<16x1xi32> to vector<16xi32>
      %gather3A_141 = tpu.dynamic_gather %select_n3A_129[%gather3A_140] in [0] : vector<16xf32>, vector<16xi32> -> vector<16xf32>
      %broadcast_in_dim3A_142 = vector.shape_cast %max3A_44 : vector<16xi32> to vector<16x1xi32>
      %gather3A_143 = vector.shape_cast %broadcast_in_dim3A_142 : vector<16x1xi32> to vector<16xi32>
      %gather3A_144 = tpu.dynamic_gather %select_n3A_131[%gather3A_143] in [0] : vector<16xf32>, vector<16xi32> -> vector<16xf32>
      %broadcast_in_dim3A_145 = vector.shape_cast %max3A_44 : vector<16xi32> to vector<16x1xi32>
      %gather3A_146 = vector.shape_cast %broadcast_in_dim3A_145 : vector<16x1xi32> to vector<16xi32>
      %gather3A_147 = tpu.dynamic_gather %select_n3A_133[%gather3A_146] in [0] : vector<16xf32>, vector<16xi32> -> vector<16xf32>
      %min3A_148 = arith.minimumf %select_n3A_129, %gather3A_141 : vector<16xf32>
      %select_n3A_149 = arith.select %and3A_138, %min3A_148, %select_n3A_129 : vector<16xi1>, vector<16xf32>
      %add3A_150 = arith.addf %select_n3A_131, %gather3A_144 : vector<16xf32>
      %select_n3A_151 = arith.select %and3A_138, %add3A_150, %select_n3A_131 : vector<16xi1>, vector<16xf32>
      %add3A_152 = arith.addf %select_n3A_133, %gather3A_147 : vector<16xf32>
      %select_n3A_153 = arith.select %and3A_138, %add3A_152, %select_n3A_133 : vector<16xi1>, vector<16xf32>
      %broadcast_in_dim3A_154 = vector.shape_cast %min3A_60 : vector<16xi32> to vector<16x1xi32>
      %gather3A_155 = vector.shape_cast %broadcast_in_dim3A_154 : vector<16x1xi32> to vector<16xi32>
      %gather3A_156 = tpu.dynamic_gather %get3A_72[%gather3A_155] in [0] : vector<16xi32>, vector<16xi32> -> vector<16xi32>
      %ne3A = arith.cmpi ne, %get3A_72, %gather3A_156 : vector<16xi32>
      %or3A = arith.ori %ne3A, %eq3A_62 : vector<16xi1>
      %gather3A_157 = tpu.vector_load_idx %arg11[%get3A_72] : memref<16384xf32, #tpu.memory_space<vmem>>[vector<16xi32>], vector<16xf32>,
      %min3A_158 = arith.minimumf %gather3A_157, %select_n3A_149 : vector<16xf32>
      tpu.vector_store_idx %arg11[%get3A_72], %min3A_158 masked %or3A : memref<16384xf32, #tpu.memory_space<vmem>>[vector<16xi32>], vector<16xf32>, vector<16xi1>
      tpu.vector_store_idx %arg12[%get3A_72], %select_n3A_151 masked %or3A {add = true} : memref<16384xf32, #tpu.memory_space<vmem>>[vector<16xi32>], vector<16xf32>, vector<16xi1>
      tpu.vector_store_idx %arg13[%get3A_72], %select_n3A_153 masked %or3A {add = true} : memref<16384xf32, #tpu.memory_space<vmem>>[vector<16xi32>], vector<16xf32>, vector<16xi1>
      %scan3A_159 = arith.constant 1 : i32
      %scan3A_160 = arith.addi %scan3A_69, %scan3A_159 : i32
      %mul3A_161 = arith.constant 16 : i32
      %mul3A_162 = arith.muli %scan3A_160, %mul3A_161 : i32
      %get3A_163 = arith.index_cast %mul3A_162 : i32 to index
      %get3A_164 = tpu.vector_load %arg8[%get3A_163] {strides = array<i32>} : memref<25600xi32, #tpu.memory_space<vmem>>, vector<16xi32>,
      %get3A_165 = arith.index_cast %mul3A_162 : i32 to index
      %get3A_166 = tpu.vector_load %arg9[%get3A_165] {strides = array<i32>} : memref<25600xf32, #tpu.memory_space<vmem>>, vector<16xf32>,
      %get3A_167 = arith.index_cast %mul3A_162 : i32 to index
      %get3A_168 = tpu.vector_load %arg10[%get3A_167] {strides = array<i32>} : memref<25600xf32, #tpu.memory_space<vmem>>, vector<16xf32>,
      %broadcast_in_dim3A_169 = vector.shape_cast %max3A_26 : vector<16xi32> to vector<16x1xi32>
      %gather3A_170 = vector.shape_cast %broadcast_in_dim3A_169 : vector<16x1xi32> to vector<16xi32>
      %gather3A_171 = tpu.dynamic_gather %get3A_164[%gather3A_170] in [0] : vector<16xi32>, vector<16xi32> -> vector<16xi32>
      %eq3A_172 = arith.cmpi eq, %gather3A_171, %get3A_164 : vector<16xi32>
      %and3A_173 = arith.andi %ge3A_46, %eq3A_172 : vector<16xi1>
      %broadcast_in_dim3A_174 = vector.shape_cast %max3A_26 : vector<16xi32> to vector<16x1xi32>
      %gather3A_175 = vector.shape_cast %broadcast_in_dim3A_174 : vector<16x1xi32> to vector<16xi32>
      %gather3A_176 = tpu.dynamic_gather %get3A_166[%gather3A_175] in [0] : vector<16xf32>, vector<16xi32> -> vector<16xf32>
      %broadcast_in_dim3A_177 = vector.shape_cast %max3A_26 : vector<16xi32> to vector<16x1xi32>
      %gather3A_178 = vector.shape_cast %broadcast_in_dim3A_177 : vector<16x1xi32> to vector<16xi32>
      %gather3A_179 = tpu.dynamic_gather %get3A_168[%gather3A_178] in [0] : vector<16xf32>, vector<16xi32> -> vector<16xf32>
      %broadcast_in_dim3A_180 = vector.shape_cast %max3A_26 : vector<16xi32> to vector<16x1xi32>
      %gather3A_181 = vector.shape_cast %broadcast_in_dim3A_180 : vector<16x1xi32> to vector<16xi32>
      %gather3A_182 = tpu.dynamic_gather %broadcast_in_dim3A_22[%gather3A_181] in [0] : vector<16xf32>, vector<16xi32> -> vector<16xf32>
      %min3A_183 = arith.minimumf %get3A_166, %gather3A_176 : vector<16xf32>
      %select_n3A_184 = arith.select %and3A_173, %min3A_183, %get3A_166 : vector<16xi1>, vector<16xf32>
      %add3A_185 = arith.addf %get3A_168, %gather3A_179 : vector<16xf32>
      %select_n3A_186 = arith.select %and3A_173, %add3A_185, %get3A_168 : vector<16xi1>, vector<16xf32>
      %add3A_187 = arith.addf %broadcast_in_dim3A_22, %gather3A_182 : vector<16xf32>
      %select_n3A_188 = arith.select %and3A_173, %add3A_187, %broadcast_in_dim3A_22 : vector<16xi1>, vector<16xf32>
      %broadcast_in_dim3A_189 = vector.shape_cast %max3A_32 : vector<16xi32> to vector<16x1xi32>
      %gather3A_190 = vector.shape_cast %broadcast_in_dim3A_189 : vector<16x1xi32> to vector<16xi32>
      %gather3A_191 = tpu.dynamic_gather %get3A_164[%gather3A_190] in [0] : vector<16xi32>, vector<16xi32> -> vector<16xi32>
      %eq3A_192 = arith.cmpi eq, %gather3A_191, %get3A_164 : vector<16xi32>
      %and3A_193 = arith.andi %ge3A_49, %eq3A_192 : vector<16xi1>
      %broadcast_in_dim3A_194 = vector.shape_cast %max3A_32 : vector<16xi32> to vector<16x1xi32>
      %gather3A_195 = vector.shape_cast %broadcast_in_dim3A_194 : vector<16x1xi32> to vector<16xi32>
      %gather3A_196 = tpu.dynamic_gather %select_n3A_184[%gather3A_195] in [0] : vector<16xf32>, vector<16xi32> -> vector<16xf32>
      %broadcast_in_dim3A_197 = vector.shape_cast %max3A_32 : vector<16xi32> to vector<16x1xi32>
      %gather3A_198 = vector.shape_cast %broadcast_in_dim3A_197 : vector<16x1xi32> to vector<16xi32>
      %gather3A_199 = tpu.dynamic_gather %select_n3A_186[%gather3A_198] in [0] : vector<16xf32>, vector<16xi32> -> vector<16xf32>
      %broadcast_in_dim3A_200 = vector.shape_cast %max3A_32 : vector<16xi32> to vector<16x1xi32>
      %gather3A_201 = vector.shape_cast %broadcast_in_dim3A_200 : vector<16x1xi32> to vector<16xi32>
      %gather3A_202 = tpu.dynamic_gather %select_n3A_188[%gather3A_201] in [0] : vector<16xf32>, vector<16xi32> -> vector<16xf32>
      %min3A_203 = arith.minimumf %select_n3A_184, %gather3A_196 : vector<16xf32>
      %select_n3A_204 = arith.select %and3A_193, %min3A_203, %select_n3A_184 : vector<16xi1>, vector<16xf32>
      %add3A_205 = arith.addf %select_n3A_186, %gather3A_199 : vector<16xf32>
      %select_n3A_206 = arith.select %and3A_193, %add3A_205, %select_n3A_186 : vector<16xi1>, vector<16xf32>
      %add3A_207 = arith.addf %select_n3A_188, %gather3A_202 : vector<16xf32>
      %select_n3A_208 = arith.select %and3A_193, %add3A_207, %select_n3A_188 : vector<16xi1>, vector<16xf32>
      %broadcast_in_dim3A_209 = vector.shape_cast %max3A_38 : vector<16xi32> to vector<16x1xi32>
      %gather3A_210 = vector.shape_cast %broadcast_in_dim3A_209 : vector<16x1xi32> to vector<16xi32>
      %gather3A_211 = tpu.dynamic_gather %get3A_164[%gather3A_210] in [0] : vector<16xi32>, vector<16xi32> -> vector<16xi32>
      %eq3A_212 = arith.cmpi eq, %gather3A_211, %get3A_164 : vector<16xi32>
      %and3A_213 = arith.andi %ge3A_52, %eq3A_212 : vector<16xi1>
      %broadcast_in_dim3A_214 = vector.shape_cast %max3A_38 : vector<16xi32> to vector<16x1xi32>
      %gather3A_215 = vector.shape_cast %broadcast_in_dim3A_214 : vector<16x1xi32> to vector<16xi32>
      %gather3A_216 = tpu.dynamic_gather %select_n3A_204[%gather3A_215] in [0] : vector<16xf32>, vector<16xi32> -> vector<16xf32>
      %broadcast_in_dim3A_217 = vector.shape_cast %max3A_38 : vector<16xi32> to vector<16x1xi32>
      %gather3A_218 = vector.shape_cast %broadcast_in_dim3A_217 : vector<16x1xi32> to vector<16xi32>
      %gather3A_219 = tpu.dynamic_gather %select_n3A_206[%gather3A_218] in [0] : vector<16xf32>, vector<16xi32> -> vector<16xf32>
      %broadcast_in_dim3A_220 = vector.shape_cast %max3A_38 : vector<16xi32> to vector<16x1xi32>
      %gather3A_221 = vector.shape_cast %broadcast_in_dim3A_220 : vector<16x1xi32> to vector<16xi32>
      %gather3A_222 = tpu.dynamic_gather %select_n3A_208[%gather3A_221] in [0] : vector<16xf32>, vector<16xi32> -> vector<16xf32>
      %min3A_223 = arith.minimumf %select_n3A_204, %gather3A_216 : vector<16xf32>
      %select_n3A_224 = arith.select %and3A_213, %min3A_223, %select_n3A_204 : vector<16xi1>, vector<16xf32>
      %add3A_225 = arith.addf %select_n3A_206, %gather3A_219 : vector<16xf32>
      %select_n3A_226 = arith.select %and3A_213, %add3A_225, %select_n3A_206 : vector<16xi1>, vector<16xf32>
      %add3A_227 = arith.addf %select_n3A_208, %gather3A_222 : vector<16xf32>
      %select_n3A_228 = arith.select %and3A_213, %add3A_227, %select_n3A_208 : vector<16xi1>, vector<16xf32>
      %broadcast_in_dim3A_229 = vector.shape_cast %max3A_44 : vector<16xi32> to vector<16x1xi32>
      %gather3A_230 = vector.shape_cast %broadcast_in_dim3A_229 : vector<16x1xi32> to vector<16xi32>
      %gather3A_231 = tpu.dynamic_gather %get3A_164[%gather3A_230] in [0] : vector<16xi32>, vector<16xi32> -> vector<16xi32>
      %eq3A_232 = arith.cmpi eq, %gather3A_231, %get3A_164 : vector<16xi32>
      %and3A_233 = arith.andi %ge3A_55, %eq3A_232 : vector<16xi1>
      %broadcast_in_dim3A_234 = vector.shape_cast %max3A_44 : vector<16xi32> to vector<16x1xi32>
      %gather3A_235 = vector.shape_cast %broadcast_in_dim3A_234 : vector<16x1xi32> to vector<16xi32>
      %gather3A_236 = tpu.dynamic_gather %select_n3A_224[%gather3A_235] in [0] : vector<16xf32>, vector<16xi32> -> vector<16xf32>
      %broadcast_in_dim3A_237 = vector.shape_cast %max3A_44 : vector<16xi32> to vector<16x1xi32>
      %gather3A_238 = vector.shape_cast %broadcast_in_dim3A_237 : vector<16x1xi32> to vector<16xi32>
      %gather3A_239 = tpu.dynamic_gather %select_n3A_226[%gather3A_238] in [0] : vector<16xf32>, vector<16xi32> -> vector<16xf32>
      %broadcast_in_dim3A_240 = vector.shape_cast %max3A_44 : vector<16xi32> to vector<16x1xi32>
      %gather3A_241 = vector.shape_cast %broadcast_in_dim3A_240 : vector<16x1xi32> to vector<16xi32>
      %gather3A_242 = tpu.dynamic_gather %select_n3A_228[%gather3A_241] in [0] : vector<16xf32>, vector<16xi32> -> vector<16xf32>
      %min3A_243 = arith.minimumf %select_n3A_224, %gather3A_236 : vector<16xf32>
      %select_n3A_244 = arith.select %and3A_233, %min3A_243, %select_n3A_224 : vector<16xi1>, vector<16xf32>
      %add3A_245 = arith.addf %select_n3A_226, %gather3A_239 : vector<16xf32>
      %select_n3A_246 = arith.select %and3A_233, %add3A_245, %select_n3A_226 : vector<16xi1>, vector<16xf32>
      %add3A_247 = arith.addf %select_n3A_228, %gather3A_242 : vector<16xf32>
      %select_n3A_248 = arith.select %and3A_233, %add3A_247, %select_n3A_228 : vector<16xi1>, vector<16xf32>
      %broadcast_in_dim3A_249 = vector.shape_cast %min3A_60 : vector<16xi32> to vector<16x1xi32>
      %gather3A_250 = vector.shape_cast %broadcast_in_dim3A_249 : vector<16x1xi32> to vector<16xi32>
      %gather3A_251 = tpu.dynamic_gather %get3A_164[%gather3A_250] in [0] : vector<16xi32>, vector<16xi32> -> vector<16xi32>
      %ne3A_252 = arith.cmpi ne, %get3A_164, %gather3A_251 : vector<16xi32>
      %or3A_253 = arith.ori %ne3A_252, %eq3A_62 : vector<16xi1>
      %gather3A_254 = tpu.vector_load_idx %arg11[%get3A_164] : memref<16384xf32, #tpu.memory_space<vmem>>[vector<16xi32>], vector<16xf32>,
      %min3A_255 = arith.minimumf %gather3A_254, %select_n3A_244 : vector<16xf32>
      tpu.vector_store_idx %arg11[%get3A_164], %min3A_255 masked %or3A_253 : memref<16384xf32, #tpu.memory_space<vmem>>[vector<16xi32>], vector<16xf32>, vector<16xi1>
      tpu.vector_store_idx %arg12[%get3A_164], %select_n3A_246 masked %or3A_253 {add = true} : memref<16384xf32, #tpu.memory_space<vmem>>[vector<16xi32>], vector<16xf32>, vector<16xi1>
      tpu.vector_store_idx %arg13[%get3A_164], %select_n3A_248 masked %or3A_253 {add = true} : memref<16384xf32, #tpu.memory_space<vmem>>[vector<16xi32>], vector<16xf32>, vector<16xi1>
      %scan3A_256 = arith.constant 2 : i32
      %scan3A_257 = arith.addi %scan3A_69, %scan3A_256 : i32
      %mul3A_258 = arith.constant 16 : i32
      %mul3A_259 = arith.muli %scan3A_257, %mul3A_258 : i32
      %get3A_260 = arith.index_cast %mul3A_259 : i32 to index
      %get3A_261 = tpu.vector_load %arg8[%get3A_260] {strides = array<i32>} : memref<25600xi32, #tpu.memory_space<vmem>>, vector<16xi32>,
      %get3A_262 = arith.index_cast %mul3A_259 : i32 to index
      %get3A_263 = tpu.vector_load %arg9[%get3A_262] {strides = array<i32>} : memref<25600xf32, #tpu.memory_space<vmem>>, vector<16xf32>,
      %get3A_264 = arith.index_cast %mul3A_259 : i32 to index
      %get3A_265 = tpu.vector_load %arg10[%get3A_264] {strides = array<i32>} : memref<25600xf32, #tpu.memory_space<vmem>>, vector<16xf32>,
      %broadcast_in_dim3A_266 = vector.shape_cast %max3A_26 : vector<16xi32> to vector<16x1xi32>
      %gather3A_267 = vector.shape_cast %broadcast_in_dim3A_266 : vector<16x1xi32> to vector<16xi32>
      %gather3A_268 = tpu.dynamic_gather %get3A_261[%gather3A_267] in [0] : vector<16xi32>, vector<16xi32> -> vector<16xi32>
      %eq3A_269 = arith.cmpi eq, %gather3A_268, %get3A_261 : vector<16xi32>
      %and3A_270 = arith.andi %ge3A_46, %eq3A_269 : vector<16xi1>
      %broadcast_in_dim3A_271 = vector.shape_cast %max3A_26 : vector<16xi32> to vector<16x1xi32>
      %gather3A_272 = vector.shape_cast %broadcast_in_dim3A_271 : vector<16x1xi32> to vector<16xi32>
      %gather3A_273 = tpu.dynamic_gather %get3A_263[%gather3A_272] in [0] : vector<16xf32>, vector<16xi32> -> vector<16xf32>
      %broadcast_in_dim3A_274 = vector.shape_cast %max3A_26 : vector<16xi32> to vector<16x1xi32>
      %gather3A_275 = vector.shape_cast %broadcast_in_dim3A_274 : vector<16x1xi32> to vector<16xi32>
      %gather3A_276 = tpu.dynamic_gather %get3A_265[%gather3A_275] in [0] : vector<16xf32>, vector<16xi32> -> vector<16xf32>
      %broadcast_in_dim3A_277 = vector.shape_cast %max3A_26 : vector<16xi32> to vector<16x1xi32>
      %gather3A_278 = vector.shape_cast %broadcast_in_dim3A_277 : vector<16x1xi32> to vector<16xi32>
      %gather3A_279 = tpu.dynamic_gather %broadcast_in_dim3A_22[%gather3A_278] in [0] : vector<16xf32>, vector<16xi32> -> vector<16xf32>
      %min3A_280 = arith.minimumf %get3A_263, %gather3A_273 : vector<16xf32>
      %select_n3A_281 = arith.select %and3A_270, %min3A_280, %get3A_263 : vector<16xi1>, vector<16xf32>
      %add3A_282 = arith.addf %get3A_265, %gather3A_276 : vector<16xf32>
      %select_n3A_283 = arith.select %and3A_270, %add3A_282, %get3A_265 : vector<16xi1>, vector<16xf32>
      %add3A_284 = arith.addf %broadcast_in_dim3A_22, %gather3A_279 : vector<16xf32>
      %select_n3A_285 = arith.select %and3A_270, %add3A_284, %broadcast_in_dim3A_22 : vector<16xi1>, vector<16xf32>
      %broadcast_in_dim3A_286 = vector.shape_cast %max3A_32 : vector<16xi32> to vector<16x1xi32>
      %gather3A_287 = vector.shape_cast %broadcast_in_dim3A_286 : vector<16x1xi32> to vector<16xi32>
      %gather3A_288 = tpu.dynamic_gather %get3A_261[%gather3A_287] in [0] : vector<16xi32>, vector<16xi32> -> vector<16xi32>
      %eq3A_289 = arith.cmpi eq, %gather3A_288, %get3A_261 : vector<16xi32>
      %and3A_290 = arith.andi %ge3A_49, %eq3A_289 : vector<16xi1>
      %broadcast_in_dim3A_291 = vector.shape_cast %max3A_32 : vector<16xi32> to vector<16x1xi32>
      %gather3A_292 = vector.shape_cast %broadcast_in_dim3A_291 : vector<16x1xi32> to vector<16xi32>
      %gather3A_293 = tpu.dynamic_gather %select_n3A_281[%gather3A_292] in [0] : vector<16xf32>, vector<16xi32> -> vector<16xf32>
      %broadcast_in_dim3A_294 = vector.shape_cast %max3A_32 : vector<16xi32> to vector<16x1xi32>
      %gather3A_295 = vector.shape_cast %broadcast_in_dim3A_294 : vector<16x1xi32> to vector<16xi32>
      %gather3A_296 = tpu.dynamic_gather %select_n3A_283[%gather3A_295] in [0] : vector<16xf32>, vector<16xi32> -> vector<16xf32>
      %broadcast_in_dim3A_297 = vector.shape_cast %max3A_32 : vector<16xi32> to vector<16x1xi32>
      %gather3A_298 = vector.shape_cast %broadcast_in_dim3A_297 : vector<16x1xi32> to vector<16xi32>
      %gather3A_299 = tpu.dynamic_gather %select_n3A_285[%gather3A_298] in [0] : vector<16xf32>, vector<16xi32> -> vector<16xf32>
      %min3A_300 = arith.minimumf %select_n3A_281, %gather3A_293 : vector<16xf32>
      %select_n3A_301 = arith.select %and3A_290, %min3A_300, %select_n3A_281 : vector<16xi1>, vector<16xf32>
      %add3A_302 = arith.addf %select_n3A_283, %gather3A_296 : vector<16xf32>
      %select_n3A_303 = arith.select %and3A_290, %add3A_302, %select_n3A_283 : vector<16xi1>, vector<16xf32>
      %add3A_304 = arith.addf %select_n3A_285, %gather3A_299 : vector<16xf32>
      %select_n3A_305 = arith.select %and3A_290, %add3A_304, %select_n3A_285 : vector<16xi1>, vector<16xf32>
      %broadcast_in_dim3A_306 = vector.shape_cast %max3A_38 : vector<16xi32> to vector<16x1xi32>
      %gather3A_307 = vector.shape_cast %broadcast_in_dim3A_306 : vector<16x1xi32> to vector<16xi32>
      %gather3A_308 = tpu.dynamic_gather %get3A_261[%gather3A_307] in [0] : vector<16xi32>, vector<16xi32> -> vector<16xi32>
      %eq3A_309 = arith.cmpi eq, %gather3A_308, %get3A_261 : vector<16xi32>
      %and3A_310 = arith.andi %ge3A_52, %eq3A_309 : vector<16xi1>
      %broadcast_in_dim3A_311 = vector.shape_cast %max3A_38 : vector<16xi32> to vector<16x1xi32>
      %gather3A_312 = vector.shape_cast %broadcast_in_dim3A_311 : vector<16x1xi32> to vector<16xi32>
      %gather3A_313 = tpu.dynamic_gather %select_n3A_301[%gather3A_312] in [0] : vector<16xf32>, vector<16xi32> -> vector<16xf32>
      %broadcast_in_dim3A_314 = vector.shape_cast %max3A_38 : vector<16xi32> to vector<16x1xi32>
      %gather3A_315 = vector.shape_cast %broadcast_in_dim3A_314 : vector<16x1xi32> to vector<16xi32>
      %gather3A_316 = tpu.dynamic_gather %select_n3A_303[%gather3A_315] in [0] : vector<16xf32>, vector<16xi32> -> vector<16xf32>
      %broadcast_in_dim3A_317 = vector.shape_cast %max3A_38 : vector<16xi32> to vector<16x1xi32>
      %gather3A_318 = vector.shape_cast %broadcast_in_dim3A_317 : vector<16x1xi32> to vector<16xi32>
      %gather3A_319 = tpu.dynamic_gather %select_n3A_305[%gather3A_318] in [0] : vector<16xf32>, vector<16xi32> -> vector<16xf32>
      %min3A_320 = arith.minimumf %select_n3A_301, %gather3A_313 : vector<16xf32>
      %select_n3A_321 = arith.select %and3A_310, %min3A_320, %select_n3A_301 : vector<16xi1>, vector<16xf32>
      %add3A_322 = arith.addf %select_n3A_303, %gather3A_316 : vector<16xf32>
      %select_n3A_323 = arith.select %and3A_310, %add3A_322, %select_n3A_303 : vector<16xi1>, vector<16xf32>
      %add3A_324 = arith.addf %select_n3A_305, %gather3A_319 : vector<16xf32>
      %select_n3A_325 = arith.select %and3A_310, %add3A_324, %select_n3A_305 : vector<16xi1>, vector<16xf32>
      %broadcast_in_dim3A_326 = vector.shape_cast %max3A_44 : vector<16xi32> to vector<16x1xi32>
      %gather3A_327 = vector.shape_cast %broadcast_in_dim3A_326 : vector<16x1xi32> to vector<16xi32>
      %gather3A_328 = tpu.dynamic_gather %get3A_261[%gather3A_327] in [0] : vector<16xi32>, vector<16xi32> -> vector<16xi32>
      %eq3A_329 = arith.cmpi eq, %gather3A_328, %get3A_261 : vector<16xi32>
      %and3A_330 = arith.andi %ge3A_55, %eq3A_329 : vector<16xi1>
      %broadcast_in_dim3A_331 = vector.shape_cast %max3A_44 : vector<16xi32> to vector<16x1xi32>
      %gather3A_332 = vector.shape_cast %broadcast_in_dim3A_331 : vector<16x1xi32> to vector<16xi32>
      %gather3A_333 = tpu.dynamic_gather %select_n3A_321[%gather3A_332] in [0] : vector<16xf32>, vector<16xi32> -> vector<16xf32>
      %broadcast_in_dim3A_334 = vector.shape_cast %max3A_44 : vector<16xi32> to vector<16x1xi32>
      %gather3A_335 = vector.shape_cast %broadcast_in_dim3A_334 : vector<16x1xi32> to vector<16xi32>
      %gather3A_336 = tpu.dynamic_gather %select_n3A_323[%gather3A_335] in [0] : vector<16xf32>, vector<16xi32> -> vector<16xf32>
      %broadcast_in_dim3A_337 = vector.shape_cast %max3A_44 : vector<16xi32> to vector<16x1xi32>
      %gather3A_338 = vector.shape_cast %broadcast_in_dim3A_337 : vector<16x1xi32> to vector<16xi32>
      %gather3A_339 = tpu.dynamic_gather %select_n3A_325[%gather3A_338] in [0] : vector<16xf32>, vector<16xi32> -> vector<16xf32>
      %min3A_340 = arith.minimumf %select_n3A_321, %gather3A_333 : vector<16xf32>
      %select_n3A_341 = arith.select %and3A_330, %min3A_340, %select_n3A_321 : vector<16xi1>, vector<16xf32>
      %add3A_342 = arith.addf %select_n3A_323, %gather3A_336 : vector<16xf32>
      %select_n3A_343 = arith.select %and3A_330, %add3A_342, %select_n3A_323 : vector<16xi1>, vector<16xf32>
      %add3A_344 = arith.addf %select_n3A_325, %gather3A_339 : vector<16xf32>
      %select_n3A_345 = arith.select %and3A_330, %add3A_344, %select_n3A_325 : vector<16xi1>, vector<16xf32>
      %broadcast_in_dim3A_346 = vector.shape_cast %min3A_60 : vector<16xi32> to vector<16x1xi32>
      %gather3A_347 = vector.shape_cast %broadcast_in_dim3A_346 : vector<16x1xi32> to vector<16xi32>
      %gather3A_348 = tpu.dynamic_gather %get3A_261[%gather3A_347] in [0] : vector<16xi32>, vector<16xi32> -> vector<16xi32>
      %ne3A_349 = arith.cmpi ne, %get3A_261, %gather3A_348 : vector<16xi32>
      %or3A_350 = arith.ori %ne3A_349, %eq3A_62 : vector<16xi1>
      %gather3A_351 = tpu.vector_load_idx %arg11[%get3A_261] : memref<16384xf32, #tpu.memory_space<vmem>>[vector<16xi32>], vector<16xf32>,
      %min3A_352 = arith.minimumf %gather3A_351, %select_n3A_341 : vector<16xf32>
      tpu.vector_store_idx %arg11[%get3A_261], %min3A_352 masked %or3A_350 : memref<16384xf32, #tpu.memory_space<vmem>>[vector<16xi32>], vector<16xf32>, vector<16xi1>
      tpu.vector_store_idx %arg12[%get3A_261], %select_n3A_343 masked %or3A_350 {add = true} : memref<16384xf32, #tpu.memory_space<vmem>>[vector<16xi32>], vector<16xf32>, vector<16xi1>
      tpu.vector_store_idx %arg13[%get3A_261], %select_n3A_345 masked %or3A_350 {add = true} : memref<16384xf32, #tpu.memory_space<vmem>>[vector<16xi32>], vector<16xf32>, vector<16xi1>
      %scan3A_353 = arith.constant 3 : i32
      %scan3A_354 = arith.addi %scan3A_69, %scan3A_353 : i32
      %mul3A_355 = arith.constant 16 : i32
      %mul3A_356 = arith.muli %scan3A_354, %mul3A_355 : i32
      %get3A_357 = arith.index_cast %mul3A_356 : i32 to index
      %get3A_358 = tpu.vector_load %arg8[%get3A_357] {strides = array<i32>} : memref<25600xi32, #tpu.memory_space<vmem>>, vector<16xi32>,
      %get3A_359 = arith.index_cast %mul3A_356 : i32 to index
      %get3A_360 = tpu.vector_load %arg9[%get3A_359] {strides = array<i32>} : memref<25600xf32, #tpu.memory_space<vmem>>, vector<16xf32>,
      %get3A_361 = arith.index_cast %mul3A_356 : i32 to index
      %get3A_362 = tpu.vector_load %arg10[%get3A_361] {strides = array<i32>} : memref<25600xf32, #tpu.memory_space<vmem>>, vector<16xf32>,
      %broadcast_in_dim3A_363 = vector.shape_cast %max3A_26 : vector<16xi32> to vector<16x1xi32>
      %gather3A_364 = vector.shape_cast %broadcast_in_dim3A_363 : vector<16x1xi32> to vector<16xi32>
      %gather3A_365 = tpu.dynamic_gather %get3A_358[%gather3A_364] in [0] : vector<16xi32>, vector<16xi32> -> vector<16xi32>
      %eq3A_366 = arith.cmpi eq, %gather3A_365, %get3A_358 : vector<16xi32>
      %and3A_367 = arith.andi %ge3A_46, %eq3A_366 : vector<16xi1>
      %broadcast_in_dim3A_368 = vector.shape_cast %max3A_26 : vector<16xi32> to vector<16x1xi32>
      %gather3A_369 = vector.shape_cast %broadcast_in_dim3A_368 : vector<16x1xi32> to vector<16xi32>
      %gather3A_370 = tpu.dynamic_gather %get3A_360[%gather3A_369] in [0] : vector<16xf32>, vector<16xi32> -> vector<16xf32>
      %broadcast_in_dim3A_371 = vector.shape_cast %max3A_26 : vector<16xi32> to vector<16x1xi32>
      %gather3A_372 = vector.shape_cast %broadcast_in_dim3A_371 : vector<16x1xi32> to vector<16xi32>
      %gather3A_373 = tpu.dynamic_gather %get3A_362[%gather3A_372] in [0] : vector<16xf32>, vector<16xi32> -> vector<16xf32>
      %broadcast_in_dim3A_374 = vector.shape_cast %max3A_26 : vector<16xi32> to vector<16x1xi32>
      %gather3A_375 = vector.shape_cast %broadcast_in_dim3A_374 : vector<16x1xi32> to vector<16xi32>
      %gather3A_376 = tpu.dynamic_gather %broadcast_in_dim3A_22[%gather3A_375] in [0] : vector<16xf32>, vector<16xi32> -> vector<16xf32>
      %min3A_377 = arith.minimumf %get3A_360, %gather3A_370 : vector<16xf32>
      %select_n3A_378 = arith.select %and3A_367, %min3A_377, %get3A_360 : vector<16xi1>, vector<16xf32>
      %add3A_379 = arith.addf %get3A_362, %gather3A_373 : vector<16xf32>
      %select_n3A_380 = arith.select %and3A_367, %add3A_379, %get3A_362 : vector<16xi1>, vector<16xf32>
      %add3A_381 = arith.addf %broadcast_in_dim3A_22, %gather3A_376 : vector<16xf32>
      %select_n3A_382 = arith.select %and3A_367, %add3A_381, %broadcast_in_dim3A_22 : vector<16xi1>, vector<16xf32>
      %broadcast_in_dim3A_383 = vector.shape_cast %max3A_32 : vector<16xi32> to vector<16x1xi32>
      %gather3A_384 = vector.shape_cast %broadcast_in_dim3A_383 : vector<16x1xi32> to vector<16xi32>
      %gather3A_385 = tpu.dynamic_gather %get3A_358[%gather3A_384] in [0] : vector<16xi32>, vector<16xi32> -> vector<16xi32>
      %eq3A_386 = arith.cmpi eq, %gather3A_385, %get3A_358 : vector<16xi32>
      %and3A_387 = arith.andi %ge3A_49, %eq3A_386 : vector<16xi1>
      %broadcast_in_dim3A_388 = vector.shape_cast %max3A_32 : vector<16xi32> to vector<16x1xi32>
      %gather3A_389 = vector.shape_cast %broadcast_in_dim3A_388 : vector<16x1xi32> to vector<16xi32>
      %gather3A_390 = tpu.dynamic_gather %select_n3A_378[%gather3A_389] in [0] : vector<16xf32>, vector<16xi32> -> vector<16xf32>
      %broadcast_in_dim3A_391 = vector.shape_cast %max3A_32 : vector<16xi32> to vector<16x1xi32>
      %gather3A_392 = vector.shape_cast %broadcast_in_dim3A_391 : vector<16x1xi32> to vector<16xi32>
      %gather3A_393 = tpu.dynamic_gather %select_n3A_380[%gather3A_392] in [0] : vector<16xf32>, vector<16xi32> -> vector<16xf32>
      %broadcast_in_dim3A_394 = vector.shape_cast %max3A_32 : vector<16xi32> to vector<16x1xi32>
      %gather3A_395 = vector.shape_cast %broadcast_in_dim3A_394 : vector<16x1xi32> to vector<16xi32>
      %gather3A_396 = tpu.dynamic_gather %select_n3A_382[%gather3A_395] in [0] : vector<16xf32>, vector<16xi32> -> vector<16xf32>
      %min3A_397 = arith.minimumf %select_n3A_378, %gather3A_390 : vector<16xf32>
      %select_n3A_398 = arith.select %and3A_387, %min3A_397, %select_n3A_378 : vector<16xi1>, vector<16xf32>
      %add3A_399 = arith.addf %select_n3A_380, %gather3A_393 : vector<16xf32>
      %select_n3A_400 = arith.select %and3A_387, %add3A_399, %select_n3A_380 : vector<16xi1>, vector<16xf32>
      %add3A_401 = arith.addf %select_n3A_382, %gather3A_396 : vector<16xf32>
      %select_n3A_402 = arith.select %and3A_387, %add3A_401, %select_n3A_382 : vector<16xi1>, vector<16xf32>
      %broadcast_in_dim3A_403 = vector.shape_cast %max3A_38 : vector<16xi32> to vector<16x1xi32>
      %gather3A_404 = vector.shape_cast %broadcast_in_dim3A_403 : vector<16x1xi32> to vector<16xi32>
      %gather3A_405 = tpu.dynamic_gather %get3A_358[%gather3A_404] in [0] : vector<16xi32>, vector<16xi32> -> vector<16xi32>
      %eq3A_406 = arith.cmpi eq, %gather3A_405, %get3A_358 : vector<16xi32>
      %and3A_407 = arith.andi %ge3A_52, %eq3A_406 : vector<16xi1>
      %broadcast_in_dim3A_408 = vector.shape_cast %max3A_38 : vector<16xi32> to vector<16x1xi32>
      %gather3A_409 = vector.shape_cast %broadcast_in_dim3A_408 : vector<16x1xi32> to vector<16xi32>
      %gather3A_410 = tpu.dynamic_gather %select_n3A_398[%gather3A_409] in [0] : vector<16xf32>, vector<16xi32> -> vector<16xf32>
      %broadcast_in_dim3A_411 = vector.shape_cast %max3A_38 : vector<16xi32> to vector<16x1xi32>
      %gather3A_412 = vector.shape_cast %broadcast_in_dim3A_411 : vector<16x1xi32> to vector<16xi32>
      %gather3A_413 = tpu.dynamic_gather %select_n3A_400[%gather3A_412] in [0] : vector<16xf32>, vector<16xi32> -> vector<16xf32>
      %broadcast_in_dim3A_414 = vector.shape_cast %max3A_38 : vector<16xi32> to vector<16x1xi32>
      %gather3A_415 = vector.shape_cast %broadcast_in_dim3A_414 : vector<16x1xi32> to vector<16xi32>
      %gather3A_416 = tpu.dynamic_gather %select_n3A_402[%gather3A_415] in [0] : vector<16xf32>, vector<16xi32> -> vector<16xf32>
      %min3A_417 = arith.minimumf %select_n3A_398, %gather3A_410 : vector<16xf32>
      %select_n3A_418 = arith.select %and3A_407, %min3A_417, %select_n3A_398 : vector<16xi1>, vector<16xf32>
      %add3A_419 = arith.addf %select_n3A_400, %gather3A_413 : vector<16xf32>
      %select_n3A_420 = arith.select %and3A_407, %add3A_419, %select_n3A_400 : vector<16xi1>, vector<16xf32>
      %add3A_421 = arith.addf %select_n3A_402, %gather3A_416 : vector<16xf32>
      %select_n3A_422 = arith.select %and3A_407, %add3A_421, %select_n3A_402 : vector<16xi1>, vector<16xf32>
      %broadcast_in_dim3A_423 = vector.shape_cast %max3A_44 : vector<16xi32> to vector<16x1xi32>
      %gather3A_424 = vector.shape_cast %broadcast_in_dim3A_423 : vector<16x1xi32> to vector<16xi32>
      %gather3A_425 = tpu.dynamic_gather %get3A_358[%gather3A_424] in [0] : vector<16xi32>, vector<16xi32> -> vector<16xi32>
      %eq3A_426 = arith.cmpi eq, %gather3A_425, %get3A_358 : vector<16xi32>
      %and3A_427 = arith.andi %ge3A_55, %eq3A_426 : vector<16xi1>
      %broadcast_in_dim3A_428 = vector.shape_cast %max3A_44 : vector<16xi32> to vector<16x1xi32>
      %gather3A_429 = vector.shape_cast %broadcast_in_dim3A_428 : vector<16x1xi32> to vector<16xi32>
      %gather3A_430 = tpu.dynamic_gather %select_n3A_418[%gather3A_429] in [0] : vector<16xf32>, vector<16xi32> -> vector<16xf32>
      %broadcast_in_dim3A_431 = vector.shape_cast %max3A_44 : vector<16xi32> to vector<16x1xi32>
      %gather3A_432 = vector.shape_cast %broadcast_in_dim3A_431 : vector<16x1xi32> to vector<16xi32>
      %gather3A_433 = tpu.dynamic_gather %select_n3A_420[%gather3A_432] in [0] : vector<16xf32>, vector<16xi32> -> vector<16xf32>
      %broadcast_in_dim3A_434 = vector.shape_cast %max3A_44 : vector<16xi32> to vector<16x1xi32>
      %gather3A_435 = vector.shape_cast %broadcast_in_dim3A_434 : vector<16x1xi32> to vector<16xi32>
      %gather3A_436 = tpu.dynamic_gather %select_n3A_422[%gather3A_435] in [0] : vector<16xf32>, vector<16xi32> -> vector<16xf32>
      %min3A_437 = arith.minimumf %select_n3A_418, %gather3A_430 : vector<16xf32>
      %select_n3A_438 = arith.select %and3A_427, %min3A_437, %select_n3A_418 : vector<16xi1>, vector<16xf32>
      %add3A_439 = arith.addf %select_n3A_420, %gather3A_433 : vector<16xf32>
      %select_n3A_440 = arith.select %and3A_427, %add3A_439, %select_n3A_420 : vector<16xi1>, vector<16xf32>
      %add3A_441 = arith.addf %select_n3A_422, %gather3A_436 : vector<16xf32>
      %select_n3A_442 = arith.select %and3A_427, %add3A_441, %select_n3A_422 : vector<16xi1>, vector<16xf32>
      %broadcast_in_dim3A_443 = vector.shape_cast %min3A_60 : vector<16xi32> to vector<16x1xi32>
      %gather3A_444 = vector.shape_cast %broadcast_in_dim3A_443 : vector<16x1xi32> to vector<16xi32>
      %gather3A_445 = tpu.dynamic_gather %get3A_358[%gather3A_444] in [0] : vector<16xi32>, vector<16xi32> -> vector<16xi32>
      %ne3A_446 = arith.cmpi ne, %get3A_358, %gather3A_445 : vector<16xi32>
      %or3A_447 = arith.ori %ne3A_446, %eq3A_62 : vector<16xi1>
      %gather3A_448 = tpu.vector_load_idx %arg11[%get3A_358] : memref<16384xf32, #tpu.memory_space<vmem>>[vector<16xi32>], vector<16xf32>,
      %min3A_449 = arith.minimumf %gather3A_448, %select_n3A_438 : vector<16xf32>
      tpu.vector_store_idx %arg11[%get3A_358], %min3A_449 masked %or3A_447 : memref<16384xf32, #tpu.memory_space<vmem>>[vector<16xi32>], vector<16xf32>, vector<16xi1>
      tpu.vector_store_idx %arg12[%get3A_358], %select_n3A_440 masked %or3A_447 {add = true} : memref<16384xf32, #tpu.memory_space<vmem>>[vector<16xi32>], vector<16xf32>, vector<16xi1>
      tpu.vector_store_idx %arg13[%get3A_358], %select_n3A_442 masked %or3A_447 {add = true} : memref<16384xf32, #tpu.memory_space<vmem>>[vector<16xi32>], vector<16xf32>, vector<16xi1>
    }
    %scan3A_68 = arith.constant 1600 : i32
    "tpu.region"() ({
      %run_scoped3A = tpu.sem_alloc : memref<!tpu.dma_semaphore, #tpu.memory_space<semaphore_mem>>
      %dma_start3A_69 = arith.constant 0 : i32
      %dma_start3A_70 = tpu.memref_slice %arg5[%add3A, %dma_start3A_69] : memref<32x16384xf32, #tpu.memory_space<hbm>> -> memref<1x16384xf32, #tpu.memory_space<hbm>>
      %dma_start3A_71 = tpu.memref_squeeze %dma_start3A_70 : memref<1x16384xf32, #tpu.memory_space<hbm>> -> memref<16384xf32, #tpu.memory_space<hbm>>
      %dma_start3A_72 = arith.constant 0 : i32
      %dma_start3A_73 = tpu.memref_slice %arg5[%add3A, %dma_start3A_72] : memref<32x16384xf32, #tpu.memory_space<hbm>> -> memref<1x16384xf32, #tpu.memory_space<hbm>>
      %dma_start3A_74 = tpu.memref_squeeze %dma_start3A_73 : memref<1x16384xf32, #tpu.memory_space<hbm>> -> memref<16384xf32, #tpu.memory_space<hbm>>
      tpu.enqueue_dma source(%arg11 : memref<16384xf32, #tpu.memory_space<vmem>>) target(%dma_start3A_74 : memref<16384xf32, #tpu.memory_space<hbm>>) target_semaphore(%run_scoped3A : memref<!tpu.dma_semaphore, #tpu.memory_space<semaphore_mem>>)
      %dma_wait3A_75 = arith.constant 0 : i32
      %dma_wait3A_76 = tpu.memref_slice %arg5[%add3A, %dma_wait3A_75] : memref<32x16384xf32, #tpu.memory_space<hbm>> -> memref<1x16384xf32, #tpu.memory_space<hbm>>
      %dma_wait3A_77 = tpu.memref_squeeze %dma_wait3A_76 : memref<1x16384xf32, #tpu.memory_space<hbm>> -> memref<16384xf32, #tpu.memory_space<hbm>>
      %dma_wait3A_78 = arith.constant 0 : i32
      %dma_wait3A_79 = tpu.memref_slice %arg5[%add3A, %dma_wait3A_78] : memref<32x16384xf32, #tpu.memory_space<hbm>> -> memref<1x16384xf32, #tpu.memory_space<hbm>>
      %dma_wait3A_80 = tpu.memref_squeeze %dma_wait3A_79 : memref<1x16384xf32, #tpu.memory_space<hbm>> -> memref<16384xf32, #tpu.memory_space<hbm>>
      tpu.wait_dma2 semaphore(%run_scoped3A : memref<!tpu.dma_semaphore, #tpu.memory_space<semaphore_mem>>) src(%arg11 : memref<16384xf32, #tpu.memory_space<vmem>>) dst(%dma_wait3A_80 : memref<16384xf32, #tpu.memory_space<hbm>>)
      tpu.yield
    }) : () -> ()
    "tpu.region"() ({
      %run_scoped3A = tpu.sem_alloc : memref<!tpu.dma_semaphore, #tpu.memory_space<semaphore_mem>>
      %dma_start3A_69 = arith.constant 0 : i32
      %dma_start3A_70 = tpu.memref_slice %arg6[%add3A, %dma_start3A_69] : memref<32x16384xf32, #tpu.memory_space<hbm>> -> memref<1x16384xf32, #tpu.memory_space<hbm>>
      %dma_start3A_71 = tpu.memref_squeeze %dma_start3A_70 : memref<1x16384xf32, #tpu.memory_space<hbm>> -> memref<16384xf32, #tpu.memory_space<hbm>>
      %dma_start3A_72 = arith.constant 0 : i32
      %dma_start3A_73 = tpu.memref_slice %arg6[%add3A, %dma_start3A_72] : memref<32x16384xf32, #tpu.memory_space<hbm>> -> memref<1x16384xf32, #tpu.memory_space<hbm>>
      %dma_start3A_74 = tpu.memref_squeeze %dma_start3A_73 : memref<1x16384xf32, #tpu.memory_space<hbm>> -> memref<16384xf32, #tpu.memory_space<hbm>>
      tpu.enqueue_dma source(%arg12 : memref<16384xf32, #tpu.memory_space<vmem>>) target(%dma_start3A_74 : memref<16384xf32, #tpu.memory_space<hbm>>) target_semaphore(%run_scoped3A : memref<!tpu.dma_semaphore, #tpu.memory_space<semaphore_mem>>)
      %dma_wait3A_75 = arith.constant 0 : i32
      %dma_wait3A_76 = tpu.memref_slice %arg6[%add3A, %dma_wait3A_75] : memref<32x16384xf32, #tpu.memory_space<hbm>> -> memref<1x16384xf32, #tpu.memory_space<hbm>>
      %dma_wait3A_77 = tpu.memref_squeeze %dma_wait3A_76 : memref<1x16384xf32, #tpu.memory_space<hbm>> -> memref<16384xf32, #tpu.memory_space<hbm>>
      %dma_wait3A_78 = arith.constant 0 : i32
      %dma_wait3A_79 = tpu.memref_slice %arg6[%add3A, %dma_wait3A_78] : memref<32x16384xf32, #tpu.memory_space<hbm>> -> memref<1x16384xf32, #tpu.memory_space<hbm>>
      %dma_wait3A_80 = tpu.memref_squeeze %dma_wait3A_79 : memref<1x16384xf32, #tpu.memory_space<hbm>> -> memref<16384xf32, #tpu.memory_space<hbm>>
      tpu.wait_dma2 semaphore(%run_scoped3A : memref<!tpu.dma_semaphore, #tpu.memory_space<semaphore_mem>>) src(%arg12 : memref<16384xf32, #tpu.memory_space<vmem>>) dst(%dma_wait3A_80 : memref<16384xf32, #tpu.memory_space<hbm>>)
      tpu.yield
    }) : () -> ()
    "tpu.region"() ({
      %run_scoped3A = tpu.sem_alloc : memref<!tpu.dma_semaphore, #tpu.memory_space<semaphore_mem>>
      %dma_start3A_69 = arith.constant 0 : i32
      %dma_start3A_70 = tpu.memref_slice %arg7[%add3A, %dma_start3A_69] : memref<32x16384xf32, #tpu.memory_space<hbm>> -> memref<1x16384xf32, #tpu.memory_space<hbm>>
      %dma_start3A_71 = tpu.memref_squeeze %dma_start3A_70 : memref<1x16384xf32, #tpu.memory_space<hbm>> -> memref<16384xf32, #tpu.memory_space<hbm>>
      %dma_start3A_72 = arith.constant 0 : i32
      %dma_start3A_73 = tpu.memref_slice %arg7[%add3A, %dma_start3A_72] : memref<32x16384xf32, #tpu.memory_space<hbm>> -> memref<1x16384xf32, #tpu.memory_space<hbm>>
      %dma_start3A_74 = tpu.memref_squeeze %dma_start3A_73 : memref<1x16384xf32, #tpu.memory_space<hbm>> -> memref<16384xf32, #tpu.memory_space<hbm>>
      tpu.enqueue_dma source(%arg13 : memref<16384xf32, #tpu.memory_space<vmem>>) target(%dma_start3A_74 : memref<16384xf32, #tpu.memory_space<hbm>>) target_semaphore(%run_scoped3A : memref<!tpu.dma_semaphore, #tpu.memory_space<semaphore_mem>>)
      %dma_wait3A_75 = arith.constant 0 : i32
      %dma_wait3A_76 = tpu.memref_slice %arg7[%add3A, %dma_wait3A_75] : memref<32x16384xf32, #tpu.memory_space<hbm>> -> memref<1x16384xf32, #tpu.memory_space<hbm>>
      %dma_wait3A_77 = tpu.memref_squeeze %dma_wait3A_76 : memref<1x16384xf32, #tpu.memory_space<hbm>> -> memref<16384xf32, #tpu.memory_space<hbm>>
      %dma_wait3A_78 = arith.constant 0 : i32
      %dma_wait3A_79 = tpu.memref_slice %arg7[%add3A, %dma_wait3A_78] : memref<32x16384xf32, #tpu.memory_space<hbm>> -> memref<1x16384xf32, #tpu.memory_space<hbm>>
      %dma_wait3A_80 = tpu.memref_squeeze %dma_wait3A_79 : memref<1x16384xf32, #tpu.memory_space<hbm>> -> memref<16384xf32, #tpu.memory_space<hbm>>
      tpu.wait_dma2 semaphore(%run_scoped3A : memref<!tpu.dma_semaphore, #tpu.memory_space<semaphore_mem>>) src(%arg13 : memref<16384xf32, #tpu.memory_space<vmem>>) dst(%dma_wait3A_80 : memref<16384xf32, #tpu.memory_space<hbm>>)
      tpu.yield
    }) : () -> ()
    return
  }
}

module attributes {stable_mosaic.version = 14 : i64} {
  func.func @_tc_combine_body(%arg0: i32, %arg1: memref<32x2048xf32, #tpu.memory_space<vmem>>, %arg2: memref<32x2048xf32, #tpu.memory_space<vmem>>, %arg3: memref<32x2048xf32, #tpu.memory_space<vmem>>, %arg4: memref<1x1xf32, #tpu.memory_space<smem>>) attributes {dimension_semantics = [#tpu.dimension_semantics<arbitrary>], iteration_bounds = array<i64: 8>, scalar_prefetch = 0 : i64, scratch_operands = 0 : i64, tpu.core_type = #tpu.core_type<tc>, window_params = [{transform_indices = @transform_0, window_bounds = array<i64: 32, 2048>}, {transform_indices = @transform_1, window_bounds = array<i64: 32, 2048>}, {transform_indices = @transform_2, window_bounds = array<i64: 32, 2048>}, {transform_indices = @transform_3, window_bounds = array<i64: 1, 1>}]} {
    %eq3A = arith.constant 0 : i32
    %eq3A_0 = arith.cmpi eq, %arg0, %eq3A : i32
    %convert_element_type3A = arith.extui %eq3A_0 : i1 to i32
    %cond3A = arith.constant 0 : i32
    %cond3A_1 = arith.cmpi ne, %convert_element_type3A, %cond3A : i32
    scf.if %cond3A_1 {
      %swap3A_29 = arith.constant 0.000000e+00 : f32
      %swap3A_30 = arith.constant 0 : index
      %swap3A_31 = arith.constant 0 : index
      %swap3A_32 = memref.load %arg4[%swap3A_30, %swap3A_31] : memref<1x1xf32, #tpu.memory_space<smem>>
      memref.store %swap3A_29, %arg4[%swap3A_30, %swap3A_31] : memref<1x1xf32, #tpu.memory_space<smem>>
    } else {
    }
    %get3A = arith.constant 0 : index
    %get3A_2 = arith.constant 0 : index
    %get3A_3 = vector.load %arg1[%get3A, %get3A_2] : memref<32x2048xf32, #tpu.memory_space<vmem>>, vector<32x2048xf32>
    %reduce_min3A = arith.constant dense<0x7F800000> : vector<2048xf32>
    %reduce_min3A_4 = vector.multi_reduction <minimumf>, %get3A_3, %reduce_min3A [0] : vector<32x2048xf32> to vector<2048xf32>
    %broadcast_in_dim3A = vector.shape_cast %reduce_min3A_4 : vector<2048xf32> to vector<1x2048xf32>
    %get3A_5 = arith.constant 0 : index
    %get3A_6 = arith.constant 0 : index
    %get3A_7 = vector.load %arg2[%get3A_5, %get3A_6] : memref<32x2048xf32, #tpu.memory_space<vmem>>, vector<32x2048xf32>
    %reduce_sum3A = arith.constant dense<0.000000e+00> : vector<2048xf32>
    %reduce_sum3A_8 = vector.multi_reduction <add>, %get3A_7, %reduce_sum3A [0] : vector<32x2048xf32> to vector<2048xf32>
    %broadcast_in_dim3A_9 = vector.shape_cast %reduce_sum3A_8 : vector<2048xf32> to vector<1x2048xf32>
    %get3A_10 = arith.constant 0 : index
    %get3A_11 = arith.constant 0 : index
    %get3A_12 = vector.load %arg3[%get3A_10, %get3A_11] : memref<32x2048xf32, #tpu.memory_space<vmem>>, vector<32x2048xf32>
    %reduce_sum3A_13 = arith.constant dense<0.000000e+00> : vector<2048xf32>
    %reduce_sum3A_14 = vector.multi_reduction <add>, %get3A_12, %reduce_sum3A_13 [0] : vector<32x2048xf32> to vector<2048xf32>
    %broadcast_in_dim3A_15 = vector.shape_cast %reduce_sum3A_14 : vector<2048xf32> to vector<1x2048xf32>
    %log3A = math.log %broadcast_in_dim3A : vector<1x2048xf32>
    %div3A = arith.divf %broadcast_in_dim3A_9, %broadcast_in_dim3A_15 : vector<1x2048xf32>
    %log3A_16 = math.log %div3A : vector<1x2048xf32>
    %sub3A = arith.subf %log3A, %log3A_16 : vector<1x2048xf32>
    %max3A = arith.constant -1.000000e+00 : f32
    %max3A_17 = vector.broadcast %max3A : f32 to vector<1x2048xf32>
    %max3A_18 = arith.maximumf %sub3A, %max3A_17 : vector<1x2048xf32>
    %get3A_19 = arith.constant 0 : index
    %get3A_20 = arith.constant 0 : index
    %get3A_21 = memref.load %arg4[%get3A_19, %get3A_20] : memref<1x1xf32, #tpu.memory_space<smem>>
    %reduce_sum3A_22 = vector.shape_cast %max3A_18 : vector<1x2048xf32> to vector<1x1x2048xf32>
    %reduce_sum3A_23 = arith.constant dense<0.000000e+00> : vector<1xf32>
    %reduce_sum3A_24 = vector.multi_reduction <add>, %reduce_sum3A_22, %reduce_sum3A_23 [1, 2] : vector<1x1x2048xf32> to vector<1xf32>
    %reduce_sum3A_25 = vector.shape_cast %reduce_sum3A_24 : vector<1xf32> to vector<1x1x1xf32>
    %reduce_sum3A_26 = vector.extract %reduce_sum3A_25[0, 0, 0] : f32 from vector<1x1x1xf32>
    %add3A = arith.addf %get3A_21, %reduce_sum3A_26 : f32
    %swap3A = arith.constant 0 : index
    %swap3A_27 = arith.constant 0 : index
    %swap3A_28 = memref.load %arg4[%swap3A, %swap3A_27] : memref<1x1xf32, #tpu.memory_space<smem>>
    memref.store %add3A, %arg4[%swap3A, %swap3A_27] : memref<1x1xf32, #tpu.memory_space<smem>>
    return
  }
  func.func @transform_0(%arg0: i32) -> (i32, i32) {
    %c0_i32 = arith.constant 0 : i32
    %c0_i32_0 = arith.constant 0 : i32
    return %c0_i32, %arg0 : i32, i32
  }
  func.func @transform_1(%arg0: i32) -> (i32, i32) {
    %c0_i32 = arith.constant 0 : i32
    %c0_i32_0 = arith.constant 0 : i32
    return %c0_i32, %arg0 : i32, i32
  }
  func.func @transform_2(%arg0: i32) -> (i32, i32) {
    %c0_i32 = arith.constant 0 : i32
    %c0_i32_0 = arith.constant 0 : i32
    return %c0_i32, %arg0 : i32, i32
  }
  func.func @transform_3(%arg0: i32) -> (i32, i32) {
    %c0_i32 = arith.constant 0 : i32
    %c0_i32_0 = arith.constant 0 : i32
    %c0_i32_1 = arith.constant 0 : i32
    return %c0_i32, %c0_i32_0 : i32, i32
  }
}

module attributes {stable_mosaic.version = 14 : i64} {
  func.func @_tc_dense_body(%arg0: i32, %arg1: memref<163840xf32, #tpu.memory_space<vmem>>, %arg2: memref<163840xf32, #tpu.memory_space<vmem>>, %arg3: memref<20000x64xf32, #tpu.memory_space<vmem>>, %arg4: memref<1x1xf32, #tpu.memory_space<smem>>) attributes {dimension_semantics = [#tpu.dimension_semantics<arbitrary>], iteration_bounds = array<i64: 5>, scalar_prefetch = 0 : i64, scratch_operands = 0 : i64, tpu.core_type = #tpu.core_type<tc>, window_params = [{transform_indices = @transform_0, window_bounds = array<i64: 163840>}, {transform_indices = @transform_1, window_bounds = array<i64: 163840>}, {transform_indices = @transform_2, window_bounds = array<i64: 20000, 64>}, {transform_indices = @transform_3, window_bounds = array<i64: 1, 1>}]} {
    %eq3A = arith.constant 0 : i32
    %eq3A_0 = arith.cmpi eq, %arg0, %eq3A : i32
    %convert_element_type3A = arith.extui %eq3A_0 : i1 to i32
    %cond3A = arith.constant 0 : i32
    %cond3A_1 = arith.cmpi ne, %convert_element_type3A, %cond3A : i32
    scf.if %cond3A_1 {
      %swap3A_37 = arith.constant 0.000000e+00 : f32
      %swap3A_38 = arith.constant 0 : index
      %swap3A_39 = arith.constant 0 : index
      %swap3A_40 = memref.load %arg4[%swap3A_38, %swap3A_39] : memref<1x1xf32, #tpu.memory_space<smem>>
      memref.store %swap3A_37, %arg4[%swap3A_38, %swap3A_39] : memref<1x1xf32, #tpu.memory_space<smem>>
    } else {
    }
    %get3A = arith.constant 0 : index
    %get3A_2 = vector.load %arg1[%get3A] : memref<163840xf32, #tpu.memory_space<vmem>>, vector<163840xf32>
    %get3A_3 = arith.constant 0 : index
    %get3A_4 = vector.load %arg2[%get3A_3] : memref<163840xf32, #tpu.memory_space<vmem>>, vector<163840xf32>
    %log3A = math.log %get3A_2 : vector<163840xf32>
    %max3A = arith.constant -1.000000e+02 : f32
    %max3A_5 = vector.broadcast %max3A : f32 to vector<163840xf32>
    %max3A_6 = arith.maximumf %log3A, %max3A_5 : vector<163840xf32>
    %neg3A = arith.constant 0.000000e+00 : f32
    %neg3A_7 = vector.broadcast %neg3A : f32 to vector<163840xf32>
    %neg3A_8 = arith.subf %neg3A_7, %get3A_2 : vector<163840xf32>
    %log1p3A = math.log1p %neg3A_8 : vector<163840xf32>
    %max3A_9 = arith.constant -1.000000e+02 : f32
    %max3A_10 = vector.broadcast %max3A_9 : f32 to vector<163840xf32>
    %max3A_11 = arith.maximumf %log1p3A, %max3A_10 : vector<163840xf32>
    %mul3A = arith.mulf %get3A_4, %max3A_6 : vector<163840xf32>
    %sub3A = arith.constant 1.000000e+00 : f32
    %sub3A_12 = vector.broadcast %sub3A : f32 to vector<163840xf32>
    %sub3A_13 = arith.subf %sub3A_12, %get3A_4 : vector<163840xf32>
    %mul3A_14 = arith.mulf %sub3A_13, %max3A_11 : vector<163840xf32>
    %add3A = arith.addf %mul3A, %mul3A_14 : vector<163840xf32>
    %reduce_sum3A = vector.shape_cast %add3A : vector<163840xf32> to vector<1x163840xf32>
    %reduce_sum3A_15 = arith.constant dense<0.000000e+00> : vector<1xf32>
    %reduce_sum3A_16 = vector.multi_reduction <add>, %reduce_sum3A, %reduce_sum3A_15 [1] : vector<1x163840xf32> to vector<1xf32>
    %reduce_sum3A_17 = vector.shape_cast %reduce_sum3A_16 : vector<1xf32> to vector<1x1xf32>
    %reduce_sum3A_18 = vector.extract %reduce_sum3A_17[0, 0] : f32 from vector<1x1xf32>
    %get3A_19 = arith.constant 0 : index
    %get3A_20 = arith.constant 0 : index
    %get3A_21 = vector.load %arg3[%get3A_19, %get3A_20] : memref<20000x64xf32, #tpu.memory_space<vmem>>, vector<20000x64xf32>
    %get3A_22 = arith.constant 0 : index
    %get3A_23 = arith.constant 0 : index
    %get3A_24 = memref.load %arg4[%get3A_22, %get3A_23] : memref<1x1xf32, #tpu.memory_space<smem>>
    %mul3A_25 = arith.mulf %get3A_21, %get3A_21 : vector<20000x64xf32>
    %reduce_sum3A_26 = vector.shape_cast %mul3A_25 : vector<20000x64xf32> to vector<1x20000x64xf32>
    %reduce_sum3A_27 = arith.constant dense<0.000000e+00> : vector<1xf32>
    %reduce_sum3A_28 = vector.multi_reduction <add>, %reduce_sum3A_26, %reduce_sum3A_27 [1, 2] : vector<1x20000x64xf32> to vector<1xf32>
    %reduce_sum3A_29 = vector.shape_cast %reduce_sum3A_28 : vector<1xf32> to vector<1x1x1xf32>
    %reduce_sum3A_30 = vector.extract %reduce_sum3A_29[0, 0, 0] : f32 from vector<1x1x1xf32>
    %mul3A_31 = arith.constant 0.00122070313 : f32
    %mul3A_32 = arith.mulf %mul3A_31, %reduce_sum3A_18 : f32
    %sub3A_33 = arith.subf %reduce_sum3A_30, %mul3A_32 : f32
    %add3A_34 = arith.addf %get3A_24, %sub3A_33 : f32
    %swap3A = arith.constant 0 : index
    %swap3A_35 = arith.constant 0 : index
    %swap3A_36 = memref.load %arg4[%swap3A, %swap3A_35] : memref<1x1xf32, #tpu.memory_space<smem>>
    memref.store %add3A_34, %arg4[%swap3A, %swap3A_35] : memref<1x1xf32, #tpu.memory_space<smem>>
    return
  }
  func.func @transform_0(%arg0: i32) -> i32 {
    %c0_i32 = arith.constant 0 : i32
    return %arg0 : i32
  }
  func.func @transform_1(%arg0: i32) -> i32 {
    %c0_i32 = arith.constant 0 : i32
    return %arg0 : i32
  }
  func.func @transform_2(%arg0: i32) -> (i32, i32) {
    %c0_i32 = arith.constant 0 : i32
    %c0_i32_0 = arith.constant 0 : i32
    return %arg0, %c0_i32 : i32, i32
  }
  func.func @transform_3(%arg0: i32) -> (i32, i32) {
    %c0_i32 = arith.constant 0 : i32
    %c0_i32_0 = arith.constant 0 : i32
    %c0_i32_1 = arith.constant 0 : i32
    return %c0_i32, %c0_i32_0 : i32, i32
  }
}

</mosaic_0001>

<sc_bundles>
// kernel: kernel.5.cloned.1.call-start
scs
__scs_entry_jumppad:
0x0: {  	(pc) =	sbr.rel $0x88, $3  }
0x1: {  	(tag) =	ssettag $0x0;
	lr =	simm.s32 $0x1  }
0x2: {  	[smem:$0x3F9C] =	sst lr;
	_ =	strace $0xD0000000  }
0x3: {  	_ = 	snop  }
0x4: {  	_ = 	snop  }
0x5: {  	_ = 	snop  }
0x6: {  	_ = 	snop  }
0x7: {  	_ = 	snop  }
__scs_overlays_trampoline_lowered:
0x8: {  	[smem:$0x3FAB] =	sst s0  }
0x9: {  	[smem:$0x3FAC] =	sst s1  }
0xa: {  	[smem:$0x3FAD] =	sst s2  }
0xb: {  	[smem:$0x3FAE] =	sst s3  }
0xc: {  	[smem:$0x3FAF] =	sst s4  }
0xd: {  	[smem:$0x3FB0] =	sst s5  }
0xe: {  	[smem:$0x3FB1] =	sst s6  }
0xf: {  	[smem:$0x3FB2] =	sst s7  }
0x10: {  	[smem:$0x3FB3] =	sst s8  }
0x11: {  	[smem:$0x3FB4] =	sst s9;
	s0 =	simm.s32 @!p0 $0x0  }
0x12: {  	s1 =	sld [smem:$0x3F9A];
	s0 =	simm.s32 @p0 $0x1  }
0x13: {  	[smem:$0x3FB5] =	sst s0;
	s0 =	simm.s32 @!p1 $0x0  }
0x14: {  	s2 =	sld [smem:$0x3F99];
	s0 =	simm.s32 @p1 $0x1  }
0x15: {  	[smem:$0x3FB6] =	sst s0;
	s0 =	simm.s32 @!p2 $0x0  }
0x16: {  	s3 =	sld [smem:$0x3FDB];
	s0 =	simm.s32 @p2 $0x1  }
0x17: {  	s4 =	simm.s32 $0x1BF5;
	[smem:$0x3FB8] =	sst s0  }
0x18: {  	s0 =	sld [smem:$0x3F9B];
	_ =	swait.ge [sflag:s4], $0x0  }
0x19: {  	s7 =	sld [smem:$0x3F9C]  }
0x1a: {  	s8 =	sadd.s32 $0xFFFFE003, lr  }
0x1b: {  	s9 =	sadd.s32 $0xFFFFFEF7, lr;
	s5 =	simm.s32 $0xFFFFFFFF;
	p2 =	slt.u32 s8, $0xFFFFF086  }
0x1c: {  	p1 =	slt.u32 s9, $0xF7A;
	s5 =	simm.s32 @!p2 $0x0  }
0x1d: {  	s5 =	simm.s32 @p1 $0x1;
	p0 =	seq.s32 s7, s2  }
0x1e: {  	s7 =	smul.u32 @!p0 $0xF7A, s2;
	p2 =	seq.s32 @!p0 s5, $0x0  }
0x1f: {  	s9 =	smul.u32 $0xF7A, s1;
	s8 =	simm.s32 @!p0 $0x1BF5;
	p2 =	por !p2, p0  }
0x20: {  	[sflag:s8] =	ssyncset.s32 @!p0 $0xFFFFF086;
	s6 =	sadd.s32 @!p0 s3, s7;
	s7 =	simm.s32 @!p0 $0x108  }
0x21: {  	s3 =	sadd.s32 s3, s9;
	s6 =	sadd.s32 @!p0 $0x88, s6;
	s7 =	simm.s32 @p2 $0x1082  }
0x22: {  	[simem:s7], [sflag:s8] =	dma.local @!p0 [hbm:s6], $0xF7A  }
0x23: {  	s9 =	sor.u32 $0xD0000000, s2;
	s6 =	simm.s32 $0x108;
	_ =	swait.ge @!p0 [sflag:s8], $0x0  }
0x24: {  	s3 =	sadd.s32 $0x88, s3;
	s6 =	simm.s32 @!p1 $0x1082;
	[sflag:s4] =	ssyncset.s32 $0xFFFFF086  }
0x25: {  	[simem:s6], [sflag:s4] =	dma.local [hbm:s3], $0xF7A  }
0x26: {  	[smem:$0x3F9C] =	sst s1;
	(tag) =	ssettag s2;
	_ =	strace s9  }
0x27: {  	s1 =	sld [smem:$0x3FAC]  }
0x28: {  	s2 =	sld [smem:$0x3FAD]  }
0x29: {  	s4 =	sld [smem:$0x3FAF]  }
0x2a: {  	p0 =	seq.s32 s5, $0x0;
	s5 =	sld [smem:$0x3FB0]  }
0x2b: {  	s6 =	sld [smem:$0x3FB1]  }
0x2c: {  	s7 =	sld [smem:$0x3FB2]  }
0x2d: {  	s3 =	simm.s32 $0x108;
	s8 =	sld [smem:$0x3FB3]  }
0x2e: {  	s3 =	simm.s32 @!p0 $0x1082;
	s9 =	sld [smem:$0x3FB4]  }
0x2f: {  	lr =	sadd.s32 s0, s3;
	s0 =	sld [smem:$0x3FAB]  }
0x30: {  	s3 =	sld [smem:$0x3FAE]  }
0x31: {  	[smem:$0x3FB7] =	sst s10  }
0x32: {  	s10 =	sld [smem:$0x3FB5];
	_ =	sdelay $0x3  }
0x33: {  	p0 =	seq.s32 s10, $0x1;
	s10 =	sld [smem:$0x3FB7];
	_ =	sdelay $0x3  }
0x34: {  	[smem:$0x3FB7] =	sst s10  }
0x35: {  	s10 =	sld [smem:$0x3FB6];
	_ =	sdelay $0x3  }
0x36: {  	p1 =	seq.s32 s10, $0x1;
	s10 =	sld [smem:$0x3FB7];
	_ =	sdelay $0x3  }
0x37: {  	[smem:$0x3FB7] =	sst s10  }
0x38: {  	s10 =	sld [smem:$0x3FB8]  }
0x39: {  	_ = 	snop;
	(pc) =	sbr.ind lr, $3  }
0x3a: {  	_ = 	snop  }
0x3b: {  	_ = 	snop  }
0x3c: {  	p2 =	seq.s32 s10, $0x1;
	s10 =	sld [smem:$0x3FB7]  }
0x3d: {  	_ =	shalt  }
0x3e: {  	_ =	shalt  }
0x3f: {  	_ =	shalt  }
0x40: {  	_ =	shalt  }
0x41: {  	_ =	shalt  }
0x42: {  	_ =	shalt  }
0x43: {  	_ =	shalt  }
0x44: {  	_ =	shalt  }
0x45: {  	_ =	shalt  }
0x46: {  	_ =	shalt  }
0x47: {  	_ =	shalt  }
0x48: {  	_ =	shalt  }
0x49: {  	_ =	shalt  }
0x4a: {  	_ =	shalt  }
0x4b: {  	_ =	shalt  }
0x4c: {  	_ =	shalt  }
0x4d: {  	_ =	shalt  }
0x4e: {  	_ =	shalt  }
0x4f: {  	_ =	shalt  }
0x50: {  	_ =	shalt  }
0x51: {  	_ =	shalt  }
0x52: {  	_ =	shalt  }
0x53: {  	_ =	shalt  }
0x54: {  	_ =	shalt  }
0x55: {  	_ =	shalt  }
0x56: {  	_ =	shalt  }
0x57: {  	_ =	shalt  }
0x58: {  	_ =	shalt  }
0x59: {  	_ =	shalt  }
0x5a: {  	_ =	shalt  }
0x5b: {  	_ =	shalt  }
0x5c: {  	_ =	shalt  }
0x5d: {  	_ =	shalt  }
0x5e: {  	_ =	shalt  }
0x5f: {  	_ =	shalt  }
0x60: {  	_ =	shalt  }
0x61: {  	_ =	shalt  }
0x62: {  	_ =	shalt  }
0x63: {  	_ =	shalt  }
0x64: {  	_ =	shalt  }
0x65: {  	_ =	shalt  }
0x66: {  	_ =	shalt  }
0x67: {  	_ =	shalt  }
0x68: {  	_ =	shalt  }
0x69: {  	_ =	shalt  }
0x6a: {  	_ =	shalt  }
0x6b: {  	_ =	shalt  }
0x6c: {  	_ =	shalt  }
0x6d: {  	_ =	shalt  }
0x6e: {  	_ =	shalt  }
0x6f: {  	_ =	shalt  }
0x70: {  	_ =	shalt  }
0x71: {  	_ =	shalt  }
0x72: {  	_ =	shalt  }
0x73: {  	_ =	shalt  }
0x74: {  	_ =	shalt  }
0x75: {  	_ =	shalt  }
0x76: {  	_ =	shalt  }
0x77: {  	_ =	shalt  }
0x78: {  	_ =	shalt  }
0x79: {  	_ =	shalt  }
0x7a: {  	_ =	shalt  }
0x7b: {  	_ =	shalt  }
0x7c: {  	_ =	shalt  }
0x7d: {  	_ =	shalt  }
0x7e: {  	_ =	shalt  }
0x7f: {  	_ =	shalt  }
0x80: {  	_ =	shalt  }
0x81: {  	_ =	shalt  }
0x82: {  	_ =	shalt  }
0x83: {  	_ =	shalt  }
0x84: {  	_ =	shalt  }
0x85: {  	_ =	shalt  }
0x86: {  	_ =	shalt  }
0x87: {  	_ =	shalt  }
.Lfunc_end0:
.L_simem_size_0:
called_computation_lowered:
.L_overlay_start_0:
0x88: {  	s2 =	sld [smem:$0x3FD9]  }
0x89: {  	s3 =	sld [smem:$0x3FFE];
	_ =	sdelay $0x1  }
0x8a: {  	s1 =	srdreg.scid  }
0x8b: {  	s0 =	sand.u32 $0x1, s1  }
0x8c: {  	s17 =	sshll.u32 s0, $0xA;
	s2 =	sadd.s32 s3, s2  }
0x8d: {  	s2 =	sadd.s32 s2, s17  }
0x8e: {  	[smem:$0x3FC3] =	sst s2  }
0x8f: {  	_ = 	snop  }
0x90: {  	s2 =	sld [smem:$0x3FC9]  }
0x91: {  	s18 =	sld [smem:$0x3FC7]  }
0x92: {  	s4 =	sld [smem:$0x3FC6];
	(tm) =	ssettm $0x1  }
0x93: {  	s5 =	sld [smem:$0x3FFB];
	_ =	sdelay $0x3  }
0x94: {  	_ =	strace s5  }
0x95: {  	s5 =	sld [smem:$0x3FFC];
	_ =	sdelay $0x3  }
0x96: {  	_ =	strace s5  }
0x97: {  	s5 =	sld [smem:$0x3FFD];
	_ =	sdelay $0x3  }
0x98: {  	_ =	strace s5  }
0x99: {  	_ =	strace $0x8FFFFFFF  }
0x9a: {  	s19 =	sld [smem:$0x3FDB];
	_ =	sdelay $0x1  }
0x9b: {  	s6 =	simm.s32 $_scs_section_size  }
0x9c: {  	s7 =	simm.s32 $_size__tile_overlayer_lowered;
	s8 =	simm.s32 $_tile_overlayer_lowered  }
0x9d: {  	s22 =	simm.s32 $0x1BFF;
	s21 =	sshll.u32 s8, $0x1;
	s5 =	sadd.s32 s6, s19  }
0x9e: {  	s9 =	simm.s32 $0x0;
	s20 =	sshll.u32 s7, $0x1;
	s7 =	sadd.s32 s21, s5  }
0x9f: {  	[timem:s9], [sflag:s22] =	dma.local [hbm:s7], s20  }
0xa0: {  	_ =	swait.ge [sflag:s22], s20  }
0xa1: {  	s6 =	ssub.s32 $0x0, s20;
	[sflag:s22] =	ssyncset.done $0x0  }
0xa2: {  	[sflag:s22] =	ssyncadd.s32 s6;
	_ =	sdelay $0x1  }
0xa3: {  	s23 =	simm.s32 $0x1B8B  }
0xa4: {  	_ =	swait.ge [sflag:s23], $0x1  }
0xa5: {  	[sflag:s23] =	ssyncset.done $0x0  }
0xa6: {  	s25 =	simm.s32 $0x1B8E;
	s24 =	sld [smem:$0x3FFE];
	[sflag:s23] =	ssyncadd.s32 $0xFFFFFFFF  }
0xa7: {  	s26 =	simm.s32 $execute0_lowered;
	[smem:$0x3FD2] =	sst s25  }
0xa8: {  	s7 =	sshll.u32 s26, $0x1;
	_ =	strace $0x80000046;
	[dreg:$0x1] =	wrdreg $0xFFFFFFFF  }
0xa9: {  	s28 =	simm.s32 $_size_execute0_lowered;
	s5 =	sadd.s32 s5, s7;
	[dreg:$0x0] =	wrdreg $0x0  }
0xaa: {  	s7 =	sshll.u32 s28, $0x1;
	[dreg:$0x2] =	wrdreg s5  }
0xab: {  	[dreg:$0x3] =	wrdreg s7  }
0xac: {  	[dreg:$0x4] =	wrdreg $0xC0  }
0xad: {  	_ =	task [dreg:s9], $0x5FFFF  }
0xae: {  	[dreg:$0x1] =	wrdreg $0xFFFFFFFF  }
0xaf: {  	[dreg:$0x0] =	wrdreg $0x60  }
0xb0: {  	[dreg:$0x2] =	wrdreg s2  }
0xb1: {  	[dreg:$0x3] =	wrdreg s18  }
0xb2: {  	[dreg:$0x4] =	wrdreg s4  }
0xb3: {  	[dreg:$0x5] =	wrdreg s24  }
0xb4: {  	[dreg:$0x6] =	wrdreg $0x9  }
0xb5: {  	_ =	task.clear_ibuf [dreg:s9], $0x7FFFF;
	_ =	strace $0x90000046  }
0xb6: {  	s29 =	simm.s32 $0x9;
	_ =	strace $0x80000048  }
0xb7: {  	_ =	swait.ge [sflag:s29], $0x1  }
0xb8: {  	[sflag:s29] =	ssyncadd.s32 $0xFFFFFFFF  }
0xb9: {  	_ =	strace $0x90000048  }
0xba: {  	_ =	sfence  }
0xbb: {  	s30 =	sld [smem:$0x0];
	_ =	sdelay $0x2  }
0xbc: {  	s31 =	sshll.u32 s1, $0xD;
	s1 =	sshrl.u32 s1, $0x2  }
0xbd: {  	s3 =	sand.u32 $0x4000, s31;
	s1 =	sadd.s32 s1, s30  }
0xbe: {  	s0 =	sor.u32 s3, s0;
	s1 =	sshll.u32 s1, $0x11  }
0xbf: {  	s0 =	sor.u32 s1, s0  }
0xc0: {  	s0 =	sadd.s32 $0x8F2B, s0  }
0xc1: {  	[sflag:s0] =	ssyncadd.remote.s32 $0x1  }
0xc2: {  	_ =	sfence.sel $0xFFFF  }
0xc3: {  	[dreg:$0x0] =	wrdreg $0xFFFFFFFF;
	(pc) =	sbr.abs _section_cstart, $3  }
0xc4: {  	[dreg:$0x1] =	wrdreg $0xFFFFFFFF  }
0xc5: {  	_ =	task.clear_ibuf [dreg:s9], $0x2FFFF;
	_ =	strace $0x9FFFFFFF  }
0xc6: {  	(tm) =	ssettm $0x7FFFFFFF  }
0xc7: {  	_ =	shalt  }
tec
execute0_lowered:
.L_overlay_start_1:
0x0: {  	(tag) =	ssettag $0x1  }
0x1: {  	v0 =	vimm.s32 $0xEDCBA987;
	v1 =	vimm.s32 $0x65432100;
	v2 =	vimm.s32 $0xDCBA9876  }
0x2: {  	v3 =	vimm.s32 $0x54321000;
	v4 =	vimm.s32 $0xBA987654;
	v5 =	vimm.s32 $0x32100000  }
0x3: {  	s3 =	rddreg [dreg:$0x0];
	v6 =	vimm.s32 $0xE40000;
	v7 =	vimm.s32 $0xFFEDCBA9;
	v8 =	vimm.s32 $0x87654321  }
0x4: {  	s4 =	rddreg [dreg:$0x1];
	vm0 =	vcmask $0x3F04;
	vm3 =	vcmask $0x3F30;
	v0 =	vunpack.c.l.s4.s8 v0  }
0x5: {  	s5 =	rddreg [dreg:$0x2];
	s1 =	srdreg.scid;
	vm1 =	vcmask $0x3F08;
	vm2 =	vcmask $0x3F10;
	v1 =	vunpack.c.l.s4.s8 v1  }
0x6: {  	s0 =	stileid.u32;
	s6 =	rddreg [dreg:$0x3];
	v2 =	vunpack.c.l.s4.s8 v2;
	v3 =	vunpack.c.l.s4.s8 v3;
	v0 =	vunpack.c.0.s8.s32 v0  }
0x7: {  	s11 =	simm.s32 $0xC800;
	s12 =	simm.s32 $0x1;
	s13 =	simm.s32 $0x12C00;
	v5 =	vunpack.c.l.s4.s8 v5;
	v6 =	vunpack.c.l.s2.s4 v6;
	v1 =	vunpack.c.0.s8.s32 v1  }
0x8: {  	s14 =	simm.s32 $0x16C00;
	s15 =	simm.s32 $0x1AC00;
	s16 =	simm.s32 $0x80;
	v7 =	vunpack.c.l.s4.s8 v7;
	v8 =	vunpack.c.l.s4.s8 v8;
	v0 =	vand.u32 $0xF, v0  }
0x9: {  	s17 =	simm.s32 $0x400;
	s18 =	simm.s32 $0x2;
	s19 =	simm.s32 $0x0;
	v0 =	vcombine.low v1, v0;
	v1 =	vunpack.c.0.s8.s32 v2;
	v2 =	vunpack.c.l.s4.s8 v4  }
0xa: {  	s7 =	sand.u32 $0x1, s1;
	s2 =	sshll.u32 s0, $0x1;
	s1 =	rddreg [dreg:$0x4];
	v3 =	vunpack.c.0.s8.s32 v3;
	v6 =	vunpack.c.l.s4.s8 v6;
	v7 =	vunpack.c.0.s8.s32 v7  }
0xb: {  	s9 =	sshll.u32 s0, $0xC;
	s8 =	sor.u32 s7, s2;
	s2 =	simm.s32 $0x0;
	v8 =	vunpack.c.0.s8.s32 v8;
	v1 =	vand.u32 $0xF, v1;
	v2 =	vunpack.c.0.s8.s32 v2  }
0xc: {  	vm4 =	vcmask $0x3F3C;
	s7 =	ssub.s32 $0x2, s7;
	s10 =	sshll.u32 s8, $0x4;
	[smem:$0x7FF] =	sst s2;
	v1 =	vcombine.low v3, v1;
	v3 =	vunpack.c.0.s8.s32 v5  }
0xd: {  	s8 =	smul.u32 $0xC80, s8;
	s30 =	sshrl.u32 s7, $0x1;
	s9 =	sor.u32 s9, s10;
	v6 =	vunpack.c.0.s8.s32 v6;
	v7 =	vcombine.low v8, v7;
	v5 =	vand.u32 $0xF, v2  }
0xe: {  	_ =	strace $0x80000047;
	s31 =	ssub.s32 s7, s30;
	s9 =	sand.u32 $0xC070, s9;
	v4 =	vimm.f32 $1.000000000e+00;
	v3 =	vcombine.low v3, v5;
	v5 =	vimm.s32 $0x7060504  }
0xf: {  	s10 =	simm.s32 $0x6400;
	s3 =	sadd.s32 s3, s8;
	s9 =	sadd.s32 s9, s6;
	v6 =	vand.u32 $0x3, v6;
	v9 =	vperm.xlane v4, v0;
	v8 =	vunpack.c.0.s8.s32 v5  }
0x10: {  	s4 =	sadd.s32 s4, s8;
	s5 =	sadd.s32 s5, s8;
	s6 =	sadd.s32 $0x1400, s9;
	v7 =	vand.u32 $0xF, v7;
	v4 =	vimm.f32 $0.0e+00;
	v2 =	vimm.f32 $+Inf  }
0x11: {  	s7 =	sadd.s32 $0x11400, s9;
	s8 =	sadd.s32 $0x21400, s9;
	s9 =	smax.u32 s31, $0x1;
	v5 =	vadd.f32 $1.000000000e+00, v9;
	v6 =	vsel vm3, v8, v6;
	vm3 =	vcmask $0x3F20  }
.LBB2_1:
0x12: {  	[tilespmem:s2], [sflag:$0x1] =	stream.linear.gather [hbm4b:s3+s2], $0x6400, $0x38;
	[tilespmem:$0x1EC00] =	vst v63  }
0x13: {  	_ = 	snop  }
0x14: {  	[tilespmem:s10], [sflag:$0x1] =	stream.linear.gather [hbm4b:s4+s2], $0x6400, $0x38;
	[tilespmem:$0x1EC00] =	vst v63  }
0x15: {  	s20 =	simm.s32 $0x40;
	s21 =	simm.s32 $0x0  }
0x16: {  	[tilespmem:s11], [sflag:$0x1] =	stream.linear.gather [hbm4b:s5+s2], $0x6400, $0x38;
	[tilespmem:$0x1EC00] =	vst v63  }
.LBB2_2:
0x17: {  	p0 =	sne.s32 s20, $0xFFC0;
	[tilespmem:s21+$0x1AC00] =	vst v4;
	s22 =	smov.u32 s20;
	s20 =	sadd.s32 $0x40, s20  }
.Ltmp0:
0x18: {  	[tilespmem:s21+$0x12C00] =	vst v2;
	(pc) =	sbr.rel @p0 .LBB2_2-.Ltmp0, $2  }
0x19: {  	[tilespmem:s21+$0x16C00] =	vst v4;
	_ =	sdelay $0x2  }
0x1a: {  	s21 =	sshra.s32 s22, $0x2  }
0x1b: {  	[tilespmem:s21+$0x1AC00] =	vst v4  }
0x1c: {  	[tilespmem:s21+$0x12C00] =	vst v2  }
0x1d: {  	[tilespmem:s21+$0x16C00] =	vst v4  }
0x1e: {  	_ =	swait.ge [sflag:s12], $0x6400  }
0x1f: {  	[sflag:s12] =	ssyncset.done $0x0  }
0x20: {  	[sflag:s12] =	ssyncadd.s32 $0xFFFF9C00  }
0x21: {  	_ =	swait.ge [sflag:s12], $0x6400  }
0x22: {  	[sflag:s12] =	ssyncset.done $0x0  }
0x23: {  	[sflag:s12] =	ssyncadd.s32 $0xFFFF9C00  }
0x24: {  	_ =	swait.ge [sflag:s12], $0x6400  }
0x25: {  	[sflag:s12] =	ssyncset.done $0x0  }
0x26: {  	s20 =	simm.s32 $0xC820;
	[sflag:s12] =	ssyncadd.s32 $0xFFFF9C00  }
0x27: {  	s22 =	simm.s32 $0x20;
	v8 =	vld [tilespmem:s20+$0xFFFFFFE0]  }
0x28: {  	v9 =	vld [tilespmem:s22+$0xFFFFFFE0]  }
0x29: {  	s21 =	simm.s32 $0x6420  }
0x2a: {  	v10 =	vld [tilespmem:s21+$0xFFFFFFE0];
	_ =	sdelay $0x2  }
0x2b: {  	v11 =	vperm.xlane v8, v0;
	v12 =	vperm.xlane v9, v0;
	_ =	sdelay $0x1  }
0x2c: {  	v13 =	vperm.xlane v10, v0;
	v11 =	vadd.f32 v11, v8;
	vm5 =	veq.s32 v12, v9  }
0x2d: {  	v61 =	vperm.xlane v9, v1;
	vm5 =	vmand vm5, vm0  }
0x2e: {  	v14 =	vperm.xlane v9, v3;
	v13 =	vmin.f32 v10, v13;
	v8 =	vsel vm5, v11, v8  }
0x2f: {  	v10 =	vsel vm5, v13, v10;
	v11 =	vnsel vm5, $0x3F800000, v5;
	v62 =	vperm.xlane v8, v1  }
0x30: {  	v15 =	vperm.xlane v10, v1;
	v16 =	vperm.xlane v11, v1  }
0x31: {  	v63 =	vperm.xlane v9, v7;
	vm5 =	veq.s32 v61, v9;
	v13 =	vadd.f32 v62, v8  }
0x32: {  	vm5 =	vmand vm5, vm1;
	v15 =	vmin.f32 v10, v15;
	v16 =	vadd.f32 v16, v11  }
0x33: {  	vm6 =	veq.s32 v14, v9;
	v10 =	vsel vm5, v15, v10;
	v8 =	vsel vm5, v13, v8  }
0x34: {  	v18 =	vperm.xlane v10, v3;
	v11 =	vsel vm5, v16, v11;
	v19 =	vperm.xlane v8, v3  }
0x35: {  	v20 =	vperm.xlane v9, v6;
	vm6 =	vmand vm6, vm2;
	v21 =	vperm.xlane v11, v3  }
0x36: {  	vm5 =	vne.s32 v9, v63;
	v13 =	vmin.f32 v10, v18;
	v14 =	vadd.f32 v19, v8  }
0x37: {  	v22 =	vld.idx.msk [tilespmem:v9+s13+$0x0], $0xffff;
	vm5 =	vmor vm5, vm4;
	v10 =	vsel vm6, v13, v10;
	v23 =	vadd.f32 v21, v11  }
0x38: {  	v24 =	vperm.xlane v10, v6;
	v8 =	vsel vm6, v14, v8  }
0x39: {  	vm7 =	veq.s32 v20, v9;
	v11 =	vsel vm6, v23, v11;
	v25 =	vperm.xlane v8, v6  }
0x3a: {  	vm6 =	vmand vm7, vm3;
	v26 =	vmin.f32 v10, v24;
	v27 =	vperm.xlane v11, v6  }
0x3b: {  	v10 =	vsel vm6, v26, v10;
	v12 =	vadd.f32 v25, v8  }
0x3c: {  	v10 =	vmin.f32 v22, v10;
	v28 =	vadd.f32 v27, v11  }
0x3d: {  	[tilespmem:v9+s13+$0x0] =	vst.idx.msk vm5, v10;
	v8 =	vsel vm6, v12, v8  }
0x3e: {  	v10 =	vsel vm6, v28, v11;
	[tilespmem:v9+s14+$0x0] =	vst.idx.add.f32.msk vm5, v8  }
0x3f: {  	[tilespmem:v9+s15+$0x0] =	vst.idx.add.f32.msk vm5, v10  }
0x40: {  	v8 =	vld [tilespmem:s22+$0xFFFFFFF0]  }
0x41: {  	v9 =	vld [tilespmem:s20+$0xFFFFFFF0];
	_ =	sdelay $0x1  }
0x42: {  	v10 =	vld [tilespmem:s21+$0xFFFFFFF0];
	_ =	sdelay $0x2  }
0x43: {  	v11 =	vperm.xlane v8, v0;
	v29 =	vperm.xlane v9, v0;
	_ =	sdelay $0x1  }
0x44: {  	vm5 =	veq.s32 v11, v8;
	v11 =	vperm.xlane v10, v0;
	v12 =	vadd.f32 v29, v9  }
0x45: {  	v30 =	vperm.xlane v8, v1;
	vm5 =	vmand vm5, vm0  }
0x46: {  	v31 =	vperm.xlane v8, v3;
	v11 =	vmin.f32 v10, v11;
	v9 =	vsel vm5, v12, v9  }
0x47: {  	v10 =	vsel vm5, v11, v10;
	v11 =	vnsel vm5, $0x3F800000, v5;
	v12 =	vperm.xlane v9, v1  }
0x48: {  	v32 =	vperm.xlane v11, v1;
	v33 =	vperm.xlane v10, v1  }
0x49: {  	v36 =	vperm.xlane v8, v7;
	vm5 =	veq.s32 v30, v8;
	v12 =	vadd.f32 v12, v9  }
0x4a: {  	vm5 =	vmand vm5, vm1;
	v34 =	vadd.f32 v32, v11;
	v35 =	vmin.f32 v10, v33  }
0x4b: {  	vm6 =	veq.s32 v31, v8;
	v10 =	vsel vm5, v35, v10;
	v9 =	vsel vm5, v12, v9  }
0x4c: {  	v11 =	vsel vm5, v34, v11;
	v37 =	vperm.xlane v10, v3;
	v38 =	vperm.xlane v9, v3  }
0x4d: {  	v39 =	vperm.xlane v8, v6;
	vm6 =	vmand vm6, vm2;
	v40 =	vperm.xlane v11, v3  }
0x4e: {  	vm5 =	vne.s32 v8, v36;
	v12 =	vmin.f32 v10, v37;
	v13 =	vadd.f32 v38, v9  }
0x4f: {  	v41 =	vld.idx.msk [tilespmem:v8+s13+$0x0], $0xffff;
	vm5 =	vmor vm5, vm4;
	v10 =	vsel vm6, v12, v10;
	v42 =	vadd.f32 v40, v11  }
0x50: {  	v9 =	vsel vm6, v13, v9;
	v43 =	vperm.xlane v10, v6  }
0x51: {  	vm7 =	veq.s32 v39, v8;
	v11 =	vsel vm6, v42, v11;
	v44 =	vperm.xlane v9, v6  }
0x52: {  	vm6 =	vmand vm7, vm3;
	v45 =	vperm.xlane v11, v6;
	v13 =	vmin.f32 v10, v43  }
0x53: {  	v10 =	vsel vm6, v13, v10;
	v12 =	vadd.f32 v44, v9  }
0x54: {  	v46 =	vadd.f32 v45, v11;
	v10 =	vmin.f32 v41, v10  }
0x55: {  	v9 =	vsel vm6, v12, v9;
	[tilespmem:v8+s13+$0x0] =	vst.idx.msk vm5, v10  }
0x56: {  	v10 =	vsel vm6, v46, v11;
	[tilespmem:v8+s14+$0x0] =	vst.idx.add.f32.msk vm5, v9  }
0x57: {  	[tilespmem:v8+s15+$0x0] =	vst.idx.add.f32.msk vm5, v10  }
0x58: {  	v8 =	vld [tilespmem:s22+$0x0]  }
0x59: {  	v9 =	vld [tilespmem:s20+$0x0];
	_ =	sdelay $0x1  }
0x5a: {  	v10 =	vld [tilespmem:s21+$0x0];
	_ =	sdelay $0x2  }
0x5b: {  	v11 =	vperm.xlane v8, v0;
	v47 =	vperm.xlane v9, v0;
	_ =	sdelay $0x1  }
0x5c: {  	vm5 =	veq.s32 v11, v8;
	v11 =	vperm.xlane v10, v0;
	v12 =	vadd.f32 v47, v9  }
0x5d: {  	v48 =	vperm.xlane v8, v1;
	vm5 =	vmand vm5, vm0  }
0x5e: {  	v49 =	vperm.xlane v8, v3;
	v11 =	vmin.f32 v10, v11;
	v9 =	vsel vm5, v12, v9  }
0x5f: {  	v10 =	vsel vm5, v11, v10;
	v11 =	vnsel vm5, $0x3F800000, v5;
	v12 =	vperm.xlane v9, v1  }
0x60: {  	v50 =	vperm.xlane v10, v1;
	v51 =	vperm.xlane v11, v1  }
0x61: {  	v54 =	vperm.xlane v8, v7;
	vm5 =	veq.s32 v48, v8;
	v12 =	vadd.f32 v12, v9  }
0x62: {  	vm5 =	vmand vm5, vm1;
	v52 =	vmin.f32 v10, v50;
	v53 =	vadd.f32 v51, v11  }
0x63: {  	vm6 =	veq.s32 v49, v8;
	v10 =	vsel vm5, v52, v10;
	v9 =	vsel vm5, v12, v9  }
0x64: {  	v55 =	vperm.xlane v10, v3;
	v11 =	vsel vm5, v53, v11;
	v56 =	vperm.xlane v9, v3  }
0x65: {  	v57 =	vperm.xlane v8, v6;
	vm6 =	vmand vm6, vm2;
	v58 =	vperm.xlane v11, v3  }
0x66: {  	vm5 =	vne.s32 v8, v54;
	v12 =	vmin.f32 v10, v55;
	v13 =	vadd.f32 v56, v9  }
0x67: {  	v59 =	vld.idx.msk [tilespmem:v8+s13+$0x0], $0xffff;
	vm5 =	vmor vm5, vm4;
	v10 =	vsel vm6, v12, v10;
	v15 =	vadd.f32 v58, v11  }
0x68: {  	v9 =	vsel vm6, v13, v9;
	v60 =	vperm.xlane v10, v6  }
0x69: {  	vm7 =	veq.s32 v57, v8;
	v11 =	vsel vm6, v15, v11;
	v61 =	vperm.xlane v9, v6  }
0x6a: {  	vm6 =	vmand vm7, vm3;
	v13 =	vmin.f32 v10, v60;
	v15 =	vperm.xlane v11, v6  }
0x6b: {  	v10 =	vsel vm6, v13, v10;
	v62 =	vadd.f32 v61, v9  }
0x6c: {  	v10 =	vmin.f32 v59, v10;
	v63 =	vadd.f32 v15, v11  }
0x6d: {  	[tilespmem:v8+s13+$0x0] =	vst.idx.msk vm5, v10;
	v9 =	vsel vm6, v62, v9  }
0x6e: {  	v10 =	vsel vm6, v63, v11;
	[tilespmem:v8+s14+$0x0] =	vst.idx.add.f32.msk vm5, v9  }
0x6f: {  	[tilespmem:v8+s15+$0x0] =	vst.idx.add.f32.msk vm5, v10  }
0x70: {  	v8 =	vld [tilespmem:s22+$0x10]  }
0x71: {  	v9 =	vld [tilespmem:s20+$0x10]  }
0x72: {  	v10 =	vld [tilespmem:s21+$0x10];
	_ =	sdelay $0x1  }
0x73: {  	s23 =	simm.s32 $0x60;
	s22 =	simm.s32 $0x0  }
.LBB2_4:
0x74: {  	s22 =	sadd.s32 $0x4, s22;
	s20 =	sadd.s32 $0x40, s20;
	s21 =	sadd.s32 $0x40, s21  }
0x75: {  	v11 =	vperm.xlane v8, v0;
	p0 =	slt.u32 s22, $0x63C;
	v12 =	vperm.xlane v9, v0  }
0x76: {  	v13 =	vperm.xlane v10, v0  }
0x77: {  	vm5 =	veq.s32 v11, v8;
	v11 =	vadd.f32 v12, v9;
	v12 =	vld.idx.msk [tilespmem:v8+s13+$0x0], $0xffff  }
0x78: {  	v14 =	vperm.xlane v8, v1;
	vm5 =	vmand vm5, vm0;
	v13 =	vmin.f32 v10, v13  }
0x79: {  	v10 =	vsel vm5, v13, v10;
	v9 =	vsel vm5, v11, v9;
	v11 =	vnsel vm5, $0x3F800000, v5  }
0x7a: {  	vm5 =	veq.s32 v14, v8;
	v13 =	vperm.xlane v10, v1;
	v14 =	vperm.xlane v9, v1  }
0x7b: {  	v16 =	vperm.xlane v8, v6;
	v15 =	vperm.xlane v11, v1  }
0x7c: {  	vm5 =	vmand vm5, vm1;
	v13 =	vmin.f32 v10, v13;
	v14 =	vadd.f32 v14, v9  }
0x7d: {  	v10 =	vsel vm5, v13, v10;
	v13 =	vadd.f32 v15, v11;
	v15 =	vperm.xlane v8, v3  }
0x7e: {  	v17 =	vperm.xlane v8, v7;
	v9 =	vsel vm5, v14, v9;
	v14 =	vperm.xlane v10, v3  }
0x7f: {  	v11 =	vsel vm5, v13, v11;
	vm5 =	veq.s32 v15, v8;
	v13 =	vperm.xlane v9, v3  }
0x80: {  	vm5 =	vmand vm5, vm2;
	v15 =	vperm.xlane v11, v3;
	v14 =	vmin.f32 v10, v14  }
0x81: {  	vm6 =	vne.s32 v8, v17;
	v10 =	vsel vm5, v14, v10;
	v13 =	vadd.f32 v13, v9  }
0x82: {  	vm6 =	vmor vm6, vm4;
	v14 =	vadd.f32 v15, v11;
	v15 =	vperm.xlane v10, v6  }
0x83: {  	vm7 =	veq.s32 v16, v8;
	v9 =	vsel vm5, v13, v9  }
0x84: {  	v11 =	vsel vm5, v14, v11;
	v13 =	vperm.xlane v9, v6;
	v14 =	vmin.f32 v10, v15  }
0x85: {  	vm5 =	vmand vm7, vm3;
	v15 =	vperm.xlane v11, v6  }
0x86: {  	v10 =	vsel vm5, v14, v10;
	v13 =	vadd.f32 v13, v9  }
0x87: {  	v10 =	vmin.f32 v12, v10;
	v14 =	vadd.f32 v15, v11  }
0x88: {  	v9 =	vsel vm5, v13, v9;
	[tilespmem:v8+s13+$0x0] =	vst.idx.msk vm6, v10  }
0x89: {  	v10 =	vsel vm5, v14, v11;
	[tilespmem:v8+s14+$0x0] =	vst.idx.add.f32.msk vm6, v9  }
0x8a: {  	[tilespmem:v8+s15+$0x0] =	vst.idx.add.f32.msk vm6, v10  }
0x8b: {  	v8 =	vld [tilespmem:s20+$0xFFFFFFE0]  }
0x8c: {  	v9 =	vld [tilespmem:s23+$0xFFFFFFE0]  }
0x8d: {  	v10 =	vld [tilespmem:s21+$0xFFFFFFE0];
	_ =	sdelay $0x2  }
0x8e: {  	v11 =	vperm.xlane v8, v0  }
0x8f: {  	v12 =	vperm.xlane v9, v0;
	v13 =	vperm.xlane v9, v1  }
0x90: {  	v15 =	vperm.xlane v9, v3;
	v14 =	vperm.xlane v10, v0;
	v11 =	vadd.f32 v11, v8  }
0x91: {  	vm5 =	veq.s32 v12, v9;
	vm6 =	veq.s32 v13, v9;
	v12 =	vperm.xlane v9, v7  }
0x92: {  	vm7 =	veq.s32 v15, v9;
	vm5 =	vmand vm5, vm0;
	v13 =	vmin.f32 v10, v14  }
0x93: {  	v10 =	vsel vm5, v13, v10;
	v8 =	vsel vm5, v11, v8;
	v11 =	vnsel vm5, $0x3F800000, v5  }
0x94: {  	vm5 =	vne.s32 v9, v12;
	v13 =	vperm.xlane v10, v1;
	v14 =	vperm.xlane v8, v1  }
0x95: {  	v15 =	vperm.xlane v9, v6;
	v12 =	vperm.xlane v11, v1  }
0x96: {  	vm6 =	vmand vm6, vm1;
	v13 =	vmin.f32 v10, v13;
	v14 =	vadd.f32 v14, v8  }
0x97: {  	vm8 =	veq.s32 v15, v9;
	v12 =	vadd.f32 v12, v11;
	v10 =	vsel vm6, v13, v10  }
0x98: {  	v8 =	vsel vm6, v14, v8;
	v13 =	vperm.xlane v10, v3  }
0x99: {  	v11 =	vsel vm6, v12, v11;
	v12 =	vperm.xlane v8, v3  }
0x9a: {  	vm6 =	vmand vm7, vm2;
	v14 =	vperm.xlane v11, v3;
	v13 =	vmin.f32 v10, v13;
	v15 =	vld.idx.msk [tilespmem:v9+s13+$0x0], $0xffff  }
0x9b: {  	v10 =	vsel vm6, v13, v10;
	v12 =	vadd.f32 v12, v8  }
0x9c: {  	vm5 =	vmor vm5, vm4;
	v13 =	vadd.f32 v14, v11;
	v14 =	vperm.xlane v10, v6  }
0x9d: {  	vm7 =	vmand vm8, vm3;
	v8 =	vsel vm6, v12, v8  }
0x9e: {  	v11 =	vsel vm6, v13, v11;
	v12 =	vperm.xlane v8, v6;
	v13 =	vmin.f32 v10, v14  }
0x9f: {  	v14 =	vperm.xlane v11, v6;
	v10 =	vsel vm7, v13, v10  }
0xa0: {  	v12 =	vadd.f32 v12, v8;
	v10 =	vmin.f32 v15, v10  }
0xa1: {  	v13 =	vadd.f32 v14, v11  }
0xa2: {  	v8 =	vsel vm7, v12, v8;
	[tilespmem:v9+s13+$0x0] =	vst.idx.msk vm5, v10  }
0xa3: {  	v10 =	vsel vm7, v13, v11;
	[tilespmem:v9+s14+$0x0] =	vst.idx.add.f32.msk vm5, v8  }
0xa4: {  	[tilespmem:v9+s15+$0x0] =	vst.idx.add.f32.msk vm5, v10  }
0xa5: {  	v8 =	vld [tilespmem:s23+$0xFFFFFFF0]  }
0xa6: {  	v9 =	vld [tilespmem:s20+$0xFFFFFFF0]  }
0xa7: {  	v10 =	vld [tilespmem:s21+$0xFFFFFFF0];
	_ =	sdelay $0x2  }
0xa8: {  	v11 =	vperm.xlane v8, v0;
	v12 =	vperm.xlane v8, v1  }
0xa9: {  	v14 =	vperm.xlane v8, v3;
	v13 =	vperm.xlane v9, v0  }
0xaa: {  	vm6 =	veq.s32 v11, v8;
	v11 =	vperm.xlane v10, v0;
	vm7 =	veq.s32 v12, v8  }
0xab: {  	vm5 =	veq.s32 v14, v8;
	v12 =	vadd.f32 v13, v9;
	v13 =	vperm.xlane v8, v7  }
0xac: {  	v14 =	vperm.xlane v8, v6;
	vm6 =	vmand vm6, vm0;
	v11 =	vmin.f32 v10, v11  }
0xad: {  	v10 =	vsel vm6, v11, v10;
	v9 =	vsel vm6, v12, v9;
	v11 =	vnsel vm6, $0x3F800000, v5  }
0xae: {  	vm6 =	vne.s32 v8, v13;
	v12 =	vperm.xlane v9, v1;
	v15 =	vperm.xlane v11, v1  }
0xaf: {  	vm8 =	veq.s32 v14, v8;
	v13 =	vperm.xlane v10, v1  }
0xb0: {  	v12 =	vadd.f32 v12, v9;
	v14 =	vadd.f32 v15, v11  }
0xb1: {  	vm7 =	vmand vm7, vm1;
	v13 =	vmin.f32 v10, v13  }
0xb2: {  	v10 =	vsel vm7, v13, v10;
	v9 =	vsel vm7, v12, v9;
	v11 =	vsel vm7, v14, v11  }
0xb3: {  	v12 =	vperm.xlane v10, v3;
	v13 =	vperm.xlane v9, v3  }
0xb4: {  	v14 =	vperm.xlane v11, v3  }
0xb5: {  	vm5 =	vmand vm5, vm2;
	v12 =	vmin.f32 v10, v12;
	v13 =	vadd.f32 v13, v9;
	v15 =	vld.idx.msk [tilespmem:v8+s13+$0x0], $0xffff  }
0xb6: {  	vm6 =	vmor vm6, vm4;
	v10 =	vsel vm5, v12, v10;
	v12 =	vadd.f32 v14, v11  }
0xb7: {  	v9 =	vsel vm5, v13, v9;
	v13 =	vperm.xlane v10, v6  }
0xb8: {  	v11 =	vsel vm5, v12, v11;
	v12 =	vperm.xlane v9, v6  }
0xb9: {  	vm5 =	vmand vm8, vm3;
	v14 =	vperm.xlane v11, v6;
	v13 =	vmin.f32 v10, v13  }
0xba: {  	v10 =	vsel vm5, v13, v10;
	v12 =	vadd.f32 v12, v9  }
0xbb: {  	v13 =	vadd.f32 v14, v11;
	v10 =	vmin.f32 v15, v10  }
0xbc: {  	v9 =	vsel vm5, v12, v9;
	[tilespmem:v8+s13+$0x0] =	vst.idx.msk vm6, v10  }
0xbd: {  	v10 =	vsel vm5, v13, v11;
	[tilespmem:v8+s14+$0x0] =	vst.idx.add.f32.msk vm6, v9  }
0xbe: {  	[tilespmem:v8+s15+$0x0] =	vst.idx.add.f32.msk vm6, v10  }
0xbf: {  	v8 =	vld [tilespmem:s23+$0x0]  }
0xc0: {  	v9 =	vld [tilespmem:s20+$0x0]  }
0xc1: {  	v10 =	vld [tilespmem:s21+$0x0];
	_ =	sdelay $0x2  }
0xc2: {  	v11 =	vperm.xlane v8, v0;
	v12 =	vperm.xlane v8, v1  }
0xc3: {  	v14 =	vperm.xlane v8, v3;
	v13 =	vperm.xlane v9, v0  }
0xc4: {  	vm5 =	veq.s32 v11, v8;
	v11 =	vperm.xlane v10, v0;
	vm6 =	veq.s32 v12, v8  }
0xc5: {  	vm7 =	veq.s32 v14, v8;
	v12 =	vadd.f32 v13, v9;
	v13 =	vperm.xlane v8, v7  }
0xc6: {  	v14 =	vperm.xlane v8, v6;
	vm5 =	vmand vm5, vm0;
	v11 =	vmin.f32 v10, v11  }
0xc7: {  	v10 =	vsel vm5, v11, v10;
	v9 =	vsel vm5, v12, v9;
	v11 =	vnsel vm5, $0x3F800000, v5  }
0xc8: {  	vm5 =	vne.s32 v8, v13;
	v12 =	vperm.xlane v10, v1;
	v15 =	vperm.xlane v9, v1  }
0xc9: {  	vm8 =	veq.s32 v14, v8;
	v13 =	vperm.xlane v11, v1  }
0xca: {  	vm6 =	vmand vm6, vm1;
	v12 =	vmin.f32 v10, v12;
	v14 =	vadd.f32 v15, v9  }
0xcb: {  	v10 =	vsel vm6, v12, v10;
	v12 =	vadd.f32 v13, v11  }
0xcc: {  	v9 =	vsel vm6, v14, v9;
	v13 =	vperm.xlane v10, v3  }
0xcd: {  	v11 =	vsel vm6, v12, v11;
	v12 =	vperm.xlane v9, v3  }
0xce: {  	vm6 =	vmand vm7, vm2;
	v14 =	vperm.xlane v11, v3;
	v13 =	vmin.f32 v10, v13;
	v15 =	vld.idx.msk [tilespmem:v8+s13+$0x0], $0xffff  }
0xcf: {  	vm5 =	vmor vm5, vm4;
	v10 =	vsel vm6, v13, v10;
	v12 =	vadd.f32 v12, v9  }
0xd0: {  	v13 =	vadd.f32 v14, v11;
	v14 =	vperm.xlane v10, v6  }
0xd1: {  	vm7 =	vmand vm8, vm3;
	v9 =	vsel vm6, v12, v9  }
0xd2: {  	v11 =	vsel vm6, v13, v11;
	v12 =	vperm.xlane v9, v6;
	v13 =	vmin.f32 v10, v14  }
0xd3: {  	v14 =	vperm.xlane v11, v6;
	v10 =	vsel vm7, v13, v10  }
0xd4: {  	v12 =	vadd.f32 v12, v9;
	v10 =	vmin.f32 v15, v10  }
0xd5: {  	v13 =	vadd.f32 v14, v11;
	[tilespmem:v8+s13+$0x0] =	vst.idx.msk vm5, v10  }
0xd6: {  	v9 =	vsel vm7, v12, v9  }
0xd7: {  	v10 =	vsel vm7, v13, v11;
	[tilespmem:v8+s14+$0x0] =	vst.idx.add.f32.msk vm5, v9  }
0xd8: {  	[tilespmem:v8+s15+$0x0] =	vst.idx.add.f32.msk vm5, v10  }
.Ltmp1:
0xd9: {  	v8 =	vld [tilespmem:s23+$0x10];
	(pc) =	sbr.rel @p0 .LBB2_4-.Ltmp1, $3  }
0xda: {  	v9 =	vld [tilespmem:s20+$0x10]  }
0xdb: {  	v10 =	vld [tilespmem:s21+$0x10];
	_ =	sdelay $0x1  }
0xdc: {  	s23 =	sadd.s32 $0x40, s23  }
0xdd: {  	_ = 	snop  }
0xde: {  	v11 =	vperm.xlane v8, v0;
	v12 =	vperm.xlane v9, v0;
	_ =	sdelay $0x1  }
0xdf: {  	v13 =	vperm.xlane v10, v0;
	vm5 =	veq.s32 v11, v8;
	v48 =	vadd.f32 v12, v9  }
0xe0: {  	v50 =	vperm.xlane v8, v1;
	vm5 =	vmand vm5, vm0  }
0xe1: {  	v54 =	vperm.xlane v8, v3;
	v49 =	vmin.f32 v10, v13;
	v9 =	vsel vm5, v48, v9  }
0xe2: {  	v51 =	vnsel vm5, $0x3F800000, v5;
	v10 =	vsel vm5, v49, v10;
	v14 =	vperm.xlane v9, v1  }
0xe3: {  	v52 =	vperm.xlane v51, v1;
	v12 =	vperm.xlane v10, v1  }
0xe4: {  	v15 =	vperm.xlane v8, v7;
	vm5 =	veq.s32 v50, v8;
	v14 =	vadd.f32 v14, v9  }
0xe5: {  	vm5 =	vmand vm5, vm1;
	v53 =	vadd.f32 v52, v51;
	v12 =	vmin.f32 v10, v12  }
0xe6: {  	v57 =	vperm.xlane v8, v6;
	v10 =	vsel vm5, v12, v10;
	v9 =	vsel vm5, v14, v9  }
0xe7: {  	v11 =	vsel vm5, v53, v51;
	v55 =	vperm.xlane v10, v3;
	v56 =	vperm.xlane v9, v3  }
0xe8: {  	vm6 =	vne.s32 v8, v15;
	vm5 =	veq.s32 v54, v8;
	v16 =	vperm.xlane v11, v3  }
0xe9: {  	vm5 =	vmand vm5, vm2;
	v14 =	vmin.f32 v10, v55;
	v12 =	vadd.f32 v56, v9  }
0xea: {  	v58 =	vld.idx.msk [tilespmem:v8+s13+$0x0], $0xffff;
	vm6 =	vmor vm6, vm4;
	v59 =	vadd.f32 v16, v11;
	v10 =	vsel vm5, v14, v10  }
0xeb: {  	v60 =	vperm.xlane v10, v6;
	v9 =	vsel vm5, v12, v9  }
0xec: {  	vm7 =	veq.s32 v57, v8;
	v11 =	vsel vm5, v59, v11;
	v12 =	vperm.xlane v9, v6  }
0xed: {  	vm5 =	vmand vm7, vm3;
	v14 =	vperm.xlane v11, v6;
	v61 =	vmin.f32 v10, v60  }
0xee: {  	v10 =	vsel vm5, v61, v10;
	v12 =	vadd.f32 v12, v9  }
0xef: {  	v62 =	vadd.f32 v14, v11;
	v10 =	vmin.f32 v58, v10  }
0xf0: {  	[tilespmem:v8+s13+$0x0] =	vst.idx.msk vm6, v10;
	v9 =	vsel vm5, v12, v9  }
0xf1: {  	v63 =	vsel vm5, v62, v11;
	[tilespmem:v8+s14+$0x0] =	vst.idx.add.f32.msk vm6, v9  }
0xf2: {  	[tilespmem:v8+s15+$0x0] =	vst.idx.add.f32.msk vm6, v63  }
0xf3: {  	[hbm4b:s6+s16] =	stream.strided.scatter [tilespmem:s13], [sflag:$0x2], $0x4000, s17, s16, $0x38;
	[tilespmem:$0x1EC00] =	vst v63  }
0xf4: {  	_ =	swait.ge [sflag:s18], $0x4000  }
0xf5: {  	[sflag:s18] =	ssyncset.done $0x0  }
0xf6: {  	[sflag:s18] =	ssyncadd.s32 $0xFFFFC000  }
0xf7: {  	[hbm4b:s7+s16] =	stream.strided.scatter [tilespmem:s14], [sflag:$0x2], $0x4000, s17, s16, $0x38;
	[tilespmem:$0x1EC00] =	vst v63  }
0xf8: {  	s19 =	sadd.s32 $0x1, s19;
	_ =	swait.ge [sflag:s18], $0x4000  }
0xf9: {  	p0 =	sne.s32 s19, s9;
	[sflag:s18] =	ssyncset.done $0x0  }
.Ltmp2:
0xfa: {  	[sflag:s18] =	ssyncadd.s32 $0xFFFFC000;
	(pc) =	sbr.rel @p0 .LBB2_1-.Ltmp2, $4  }
0xfb: {  	[hbm4b:s8+s16] =	stream.strided.scatter [tilespmem:s15], [sflag:$0x2], $0x4000, s17, s16, $0x38;
	[tilespmem:$0x1EC00] =	vst v63  }
0xfc: {  	_ =	swait.ge [sflag:s18], $0x4000  }
0xfd: {  	[sflag:s18] =	ssyncset.done $0x0  }
0xfe: {  	[sflag:s18] =	ssyncadd.s32 $0xFFFFC000  }
0xff: {  	_ =	sfence.sel $0x180000  }
0x100: {  	[bflag:$0x0] =	sbarrier.arrive $0xFFFF  }
0x101: {  	p0 =	sne.s32 s0, $0x0;
	_ =	strace $0x90000047  }
0x102: {  	s0 =	sadd.s32 @!p0 $0x100000, s1;
	[bflag:$0x2] =	sbarrier.arrive $0xFFFF  }
0x103: {  	[sflag:s0] =	ssyncadd.tile.s32 @!p0 $0x1;
	_ =	shalt  }
.Lfunc_end2:
_tile_overlayer_lowered:
.L_overlay_start_2:
0x104: {  	(tag) =	ssettag $0x2  }
0x105: {  	s0 =	rddreg [dreg:$0x0];
	s2 =	stileid.u32  }
0x106: {  	s1 =	rddreg [dreg:$0x1];
	p0 =	sne.s32 s2, $0x0  }
0x107: {  	s3 =	rddreg [dreg:$0x2];
	[bflag:$0x3] =	sbarrier.arrive $0xFFFF;
	s2 =	simm.s32 @!p0 $0x1C02  }
0x108: {  	[timem:s3], [sflag:s2] =	dma.local @!p0 [hbm:s0], s1  }
0x109: {  	s0 =	simm.s32 @!p0 $0x2  }
0x10a: {  	_ =	swait.ge @!p0 [sflag:s0], s1  }
0x10b: {  	s1 =	ssub.s32 @!p0 $0x0, s1;
	[sflag:s0] =	ssyncset.done @!p0 $0x0  }
0x10c: {  	[sflag:s0] =	ssyncadd.s32 @!p0 s1  }
0x10d: {  	[bflag:$0x3] =	sbarrier.arrive $0xFFFF  }
0x10e: {  	_ =	shalt  }

</sc_bundles>
